<compile_context>
chip_gen: v7x
topology: tpu7x:2x2x1
jax: 0.10.2.dev20260603
libtpu: 0.0.44.dev20260713+nightly
codegen_flags: <defaults>
</compile_context>

<pallas_src>
import functools

import jax
import jax.numpy as jnp
from jax import lax
from jax.experimental import pallas as pl
from jax.experimental.pallas import tpu as pltpu
from jax.experimental.pallas import tpu_sc as plsc

B = 16384
D = 128
H1 = 256
H2 = 128

NW = 32
CHUNK = 128
IDX_COLS = 128
NSPLIT = 2
HALF = B // NSPLIT


def _gather_body(part, h1, r1, t1, ent, rel, out_h, out_r, out_t,
                 hidx, ridx, tidx,
                 buf0, buf1, buf2,
                 gsem0, gsem1, gsem2,
                 isem0, isem1, isem2,
                 wsem0, wsem1, wsem2):
    rows_per_w = HALF // NW
    c = lax.axis_index("c")
    s = lax.axis_index("s")
    wid = s * 2 + c
    del part
    flat0 = wid * rows_per_w
    base = wid * rows_per_w

    i0 = pltpu.async_copy(h1.at[pl.ds(flat0, rows_per_w)], hidx, isem0)
    i1 = pltpu.async_copy(r1.at[pl.ds(flat0, rows_per_w)], ridx, isem1)
    i2 = pltpu.async_copy(t1.at[pl.ds(flat0, rows_per_w)], tidx, isem2)

    jobs = ((ent, hidx, out_h, i0), (rel, ridx, out_r, i1),
            (ent, tidx, out_t, i2))
    bufs = (buf0, buf1, buf2)
    gsems = (gsem0, gsem1, gsem2)
    wsems = (wsem0, wsem1, wsem2)

    g = [None] * 3
    for k, (tbl, idx, out, ic) in enumerate(jobs):
        ic.wait()
        g[k] = pltpu.async_copy(tbl.at[idx], bufs[k], gsems[k])
    wb = [None] * 3
    for k, (tbl, idx, out, ic) in enumerate(jobs):
        g[k].wait()
        wb[k] = pltpu.async_copy(bufs[k], out.at[pl.ds(base, rows_per_w)],
                                 wsems[k])
    for k in range(3):
        wb[k].wait()


@functools.cache
def _gather_call(part):
    return functools.partial(
        pl.kernel,
        mesh=plsc.VectorSubcoreMesh(core_axis_name="c", subcore_axis_name="s"),
        out_type=[
            jax.ShapeDtypeStruct((HALF, D), jnp.float32),
            jax.ShapeDtypeStruct((HALF, D), jnp.float32),
            jax.ShapeDtypeStruct((HALF, D), jnp.float32),
        ],
        scratch_types=[
            pltpu.VMEM((HALF // NW,), jnp.int32),
            pltpu.VMEM((HALF // NW,), jnp.int32),
            pltpu.VMEM((HALF // NW,), jnp.int32),
            pltpu.VMEM((HALF // NW, D), jnp.float32),
            pltpu.VMEM((HALF // NW, D), jnp.float32),
            pltpu.VMEM((HALF // NW, D), jnp.float32),
            pltpu.SemaphoreType.DMA,
            pltpu.SemaphoreType.DMA,
            pltpu.SemaphoreType.DMA,
            pltpu.SemaphoreType.DMA,
            pltpu.SemaphoreType.DMA,
            pltpu.SemaphoreType.DMA,
            pltpu.SemaphoreType.DMA,
            pltpu.SemaphoreType.DMA,
            pltpu.SemaphoreType.DMA,
        ],
    )(functools.partial(_gather_body, part))


BLK = 4096


def _mlp_body(h_ref, r_ref, t_ref, w1h, w1r, w1t, b1, w2, b2, w3r, b3, out_ref):
    x = (jnp.dot(h_ref[...], w1h[...], preferred_element_type=jnp.float32)
         + jnp.dot(r_ref[...], w1r[...], preferred_element_type=jnp.float32)
         + jnp.dot(t_ref[...], w1t[...], preferred_element_type=jnp.float32)
         + b1[...])
    x = jnp.maximum(x, 0.0)
    x = jnp.dot(x, w2[...], preferred_element_type=jnp.float32) + b2[...]
    x = jnp.maximum(x, 0.0)
    o = lax.dot_general(w3r[...], x, (((1,), (1,)), ((), ())),
                        preferred_element_type=jnp.float32) + b3[0]
    out_ref[...] = jax.nn.sigmoid(o).reshape(1, 1, BLK)


def _mlp_body_aliased(h_ref, r_ref, t_ref, w1h, w1r, w1t, b1, w2, b2, w3r, b3,
                      oprev, out_ref):
    del oprev
    _mlp_body(h_ref, r_ref, t_ref, w1h, w1r, w1t, b1, w2, b2, w3r, b3, out_ref)


def _mlp_part(part, h_e, r_e, t_e, w1h, w1r, w1t, b1_2, W2, b2_2, W3, b3,
              o_prev=None):
    grid = (HALF // BLK,)
    blk0 = part * (HALF // BLK)
    full = lambda i: (0, 0)
    in_specs = [
        pl.BlockSpec((BLK, D), lambda i: (i, 0)),
        pl.BlockSpec((BLK, D), lambda i: (i, 0)),
        pl.BlockSpec((BLK, D), lambda i: (i, 0)),
        pl.BlockSpec((D, H1), full),
        pl.BlockSpec((D, H1), full),
        pl.BlockSpec((D, H1), full),
        pl.BlockSpec((1, H1), full),
        pl.BlockSpec((H1, H2), full),
        pl.BlockSpec((1, H2), full),
        pl.BlockSpec((1, H2), full),
        pl.BlockSpec(memory_space=pltpu.SMEM),
    ]
    args = [h_e, r_e, t_e, w1h, w1r, w1t, b1_2, W2, b2_2, W3, b3]
    body = _mlp_body
    aliases = {}
    if o_prev is not None:
        in_specs.append(pl.BlockSpec(memory_space=pl.ANY))
        args.append(o_prev)
        body = _mlp_body_aliased
        aliases = {11: 0}
    return pl.pallas_call(
        body,
        grid=grid,
        in_specs=in_specs,
        out_specs=pl.BlockSpec((1, 1, BLK), lambda i, blk0=blk0: (i + blk0, 0, 0)),
        out_shape=jax.ShapeDtypeStruct((B // BLK, 1, BLK), jnp.float32),
        input_output_aliases=aliases,
    )(*args)


@jax.jit
def kernel(h, r, t, entity_table, relation_table, W1, b1, W2, b2, W3, b3):
    w1h = W1[0:D]
    w1r = W1[D:2 * D]
    w1t = W1[2 * D:3 * D]
    b1_2 = b1.reshape(1, H1)
    b2_2 = b2.reshape(1, H2)
    w3_row = W3.reshape(1, H2)

    o = None
    for p in range(NSPLIT):
        sl = lambda a: lax.dynamic_slice(a, (p * HALF,), (HALF,))
        e = _gather_call(0)(sl(h), sl(r), sl(t), entity_table, relation_table)
        o = _mlp_part(p, *e, w1h, w1r, w1t, b1_2, W2, b2_2, w3_row, b3,
                      o_prev=o)
    return o.reshape(B, 1)

# --- scband reference (transcript-rebuilt; emitter-appended) ---
"""Pipeline reference for scband-basic-embedding-model-59674275611248 (READ-ONLY COPY).

The authoritative reference and input builder live on the scoring server;
editing this copy changes nothing except your own understanding.
"""

import jax, jax.numpy as jnp
import numpy as np

NUM_ENTITIES = 1000000
NUM_RELATIONS = 1000
EMBED_DIM = 128
BATCH = 16384

def _xavier(key, shape):
    fan_in, fan_out = shape[0], shape[1]
    a = float(np.sqrt(6.0 / (fan_in + fan_out)))
    return jax.random.uniform(key, shape, dtype=jnp.float32, minval=-a, maxval=a)

def setup_inputs(seed: int = 0) -> dict:
    key = jax.random.key(seed)
    ks = jax.random.split(key, 12)
    h = jax.random.randint(ks[0], (BATCH,), 0, NUM_ENTITIES, dtype=jnp.int32)
    r = jax.random.randint(ks[1], (BATCH,), 0, NUM_RELATIONS, dtype=jnp.int32)
    t = jax.random.randint(ks[2], (BATCH,), 0, NUM_ENTITIES, dtype=jnp.int32)
    entity_table = _xavier(ks[3], (NUM_ENTITIES, EMBED_DIM))
    relation_table = _xavier(ks[4], (NUM_RELATIONS, EMBED_DIM))
    W1 = _xavier(ks[5], (EMBED_DIM * 3, 256))
    b1 = jnp.zeros((256,), dtype=jnp.float32)
    W2 = _xavier(ks[6], (256, 128))
    b2 = jnp.zeros((128,), dtype=jnp.float32)
    W3 = _xavier(ks[7], (128, 1))
    b3 = jnp.zeros((1,), dtype=jnp.float32)
    return {"h": h, "r": r, "t": t,
            "entity_table": entity_table, "relation_table": relation_table,
            "W1": W1, "b1": b1, "W2": W2, "b2": b2, "W3": W3, "b3": b3}

def reference(h, r, t, entity_table, relation_table, W1, b1, W2, b2, W3, b3):
    h_embed = jnp.take(entity_table, h, axis=0)
    r_embed = jnp.take(relation_table, r, axis=0)
    t_embed = jnp.take(entity_table, t, axis=0)
    x = jnp.concatenate([h_embed, r_embed, t_embed], axis=1)
    x = jax.nn.relu(x @ W1 + b1)
    x = jax.nn.relu(x @ W2 + b2)
    out = jax.nn.sigmoid(x @ W3 + b3)
    return out

if __name__ == "__main__":
    import jax
    _d = setup_inputs()
    print(jax.jit(kernel)(*tuple(_d.values())))

</pallas_src>

<mosaic_0001>
#map = affine_map<(d0, d1) -> (0)>
#map1 = affine_map<(d0, d1) -> (0, 0)>
module attributes {stable_mosaic.version = 14 : i64} {
  func.func @_gather_body(%arg0: i32, %arg1: i32, %arg2: memref<8192xi32, #tpu.memory_space<hbm>>, %arg3: memref<8192xi32, #tpu.memory_space<hbm>>, %arg4: memref<8192xi32, #tpu.memory_space<hbm>>, %arg5: memref<1000000x128xf32, #tpu.memory_space<hbm>>, %arg6: memref<1000x128xf32, #tpu.memory_space<hbm>>, %arg7: memref<8192x128xf32, #tpu.memory_space<hbm>>, %arg8: memref<8192x128xf32, #tpu.memory_space<hbm>>, %arg9: memref<8192x128xf32, #tpu.memory_space<hbm>>, %arg10: memref<256xi32, #tpu.memory_space<vmem>>, %arg11: memref<256xi32, #tpu.memory_space<vmem>>, %arg12: memref<256xi32, #tpu.memory_space<vmem>>, %arg13: memref<256x128xf32, #tpu.memory_space<vmem>>, %arg14: memref<256x128xf32, #tpu.memory_space<vmem>>, %arg15: memref<256x128xf32, #tpu.memory_space<vmem>>, %arg16: memref<!tpu.dma_semaphore, #tpu.memory_space<semaphore_mem>>, %arg17: memref<!tpu.dma_semaphore, #tpu.memory_space<semaphore_mem>>, %arg18: memref<!tpu.dma_semaphore, #tpu.memory_space<semaphore_mem>>, %arg19: memref<!tpu.dma_semaphore, #tpu.memory_space<semaphore_mem>>, %arg20: memref<!tpu.dma_semaphore, #tpu.memory_space<semaphore_mem>>, %arg21: memref<!tpu.dma_semaphore, #tpu.memory_space<semaphore_mem>>, %arg22: memref<!tpu.dma_semaphore, #tpu.memory_space<semaphore_mem>>, %arg23: memref<!tpu.dma_semaphore, #tpu.memory_space<semaphore_mem>>, %arg24: memref<!tpu.dma_semaphore, #tpu.memory_space<semaphore_mem>>) attributes {dimension_semantics = [#tpu.dimension_semantics<core_parallel>, #tpu.dimension_semantics<subcore_parallel>], iteration_bounds = array<i64: 2, 16>, scalar_prefetch = 0 : i64, scratch_operands = 15 : i64, tpu.core_type = #tpu.core_type<sc_vector_subcore>, window_params = [{transform_indices = #map}, {transform_indices = #map}, {transform_indices = #map}, {transform_indices = #map1}, {transform_indices = #map1}, {transform_indices = #map1}, {transform_indices = #map1}, {transform_indices = #map1}]} {
    %mul3A = arith.constant 2 : i32
    %mul3A_0 = arith.muli %arg1, %mul3A : i32
    %add3A = arith.addi %mul3A_0, %arg0 : i32
    %mul3A_1 = arith.constant 256 : i32
    %mul3A_2 = arith.muli %add3A, %mul3A_1 : i32
    %mul3A_3 = arith.constant 256 : i32
    %mul3A_4 = arith.muli %add3A, %mul3A_3 : i32
    %dma_start3A = tpu.memref_slice %arg2[%mul3A_2] : memref<8192xi32, #tpu.memory_space<hbm>> -> memref<256xi32, #tpu.memory_space<hbm>>
    %dma_start3A_5 = tpu.memref_slice %arg2[%mul3A_2] : memref<8192xi32, #tpu.memory_space<hbm>> -> memref<256xi32, #tpu.memory_space<hbm>>
    tpu.enqueue_dma source(%dma_start3A_5 : memref<256xi32, #tpu.memory_space<hbm>>) target(%arg10 : memref<256xi32, #tpu.memory_space<vmem>>) target_semaphore(%arg19 : memref<!tpu.dma_semaphore, #tpu.memory_space<semaphore_mem>>)
    %dma_start3A_6 = tpu.memref_slice %arg3[%mul3A_2] : memref<8192xi32, #tpu.memory_space<hbm>> -> memref<256xi32, #tpu.memory_space<hbm>>
    %dma_start3A_7 = tpu.memref_slice %arg3[%mul3A_2] : memref<8192xi32, #tpu.memory_space<hbm>> -> memref<256xi32, #tpu.memory_space<hbm>>
    tpu.enqueue_dma source(%dma_start3A_7 : memref<256xi32, #tpu.memory_space<hbm>>) target(%arg11 : memref<256xi32, #tpu.memory_space<vmem>>) target_semaphore(%arg20 : memref<!tpu.dma_semaphore, #tpu.memory_space<semaphore_mem>>)
    %dma_start3A_8 = tpu.memref_slice %arg4[%mul3A_2] : memref<8192xi32, #tpu.memory_space<hbm>> -> memref<256xi32, #tpu.memory_space<hbm>>
    %dma_start3A_9 = tpu.memref_slice %arg4[%mul3A_2] : memref<8192xi32, #tpu.memory_space<hbm>> -> memref<256xi32, #tpu.memory_space<hbm>>
    tpu.enqueue_dma source(%dma_start3A_9 : memref<256xi32, #tpu.memory_space<hbm>>) target(%arg12 : memref<256xi32, #tpu.memory_space<vmem>>) target_semaphore(%arg21 : memref<!tpu.dma_semaphore, #tpu.memory_space<semaphore_mem>>)
    %dma_wait3A = tpu.memref_slice %arg2[%mul3A_2] : memref<8192xi32, #tpu.memory_space<hbm>> -> memref<256xi32, #tpu.memory_space<hbm>>
    %dma_wait3A_10 = tpu.memref_slice %arg2[%mul3A_2] : memref<8192xi32, #tpu.memory_space<hbm>> -> memref<256xi32, #tpu.memory_space<hbm>>
    tpu.wait_dma2 semaphore(%arg19 : memref<!tpu.dma_semaphore, #tpu.memory_space<semaphore_mem>>) src(%dma_wait3A_10 : memref<256xi32, #tpu.memory_space<hbm>>) dst(%arg10 : memref<256xi32, #tpu.memory_space<vmem>>)
    %dma_start3A_11 = arith.constant 0 : i32
    %dma_start3A_12 = arith.constant 0 : i32
    %dma_start3A_13 = tpu.memref_slice %arg5[%dma_start3A_11, %dma_start3A_12] : memref<1000000x128xf32, #tpu.memory_space<hbm>> -> memref<1000000x128xf32, #tpu.memory_space<hbm>>
    tpu.enqueue_indirect_dma source(%dma_start3A_13 : memref<1000000x128xf32, #tpu.memory_space<hbm>>) target(%arg13 : memref<256x128xf32, #tpu.memory_space<vmem>>) offsets(%arg10 : memref<256xi32, #tpu.memory_space<vmem>>) semaphore(%arg16 : memref<!tpu.dma_semaphore, #tpu.memory_space<semaphore_mem>>)
    %dma_wait3A_14 = tpu.memref_slice %arg3[%mul3A_2] : memref<8192xi32, #tpu.memory_space<hbm>> -> memref<256xi32, #tpu.memory_space<hbm>>
    %dma_wait3A_15 = tpu.memref_slice %arg3[%mul3A_2] : memref<8192xi32, #tpu.memory_space<hbm>> -> memref<256xi32, #tpu.memory_space<hbm>>
    tpu.wait_dma2 semaphore(%arg20 : memref<!tpu.dma_semaphore, #tpu.memory_space<semaphore_mem>>) src(%dma_wait3A_15 : memref<256xi32, #tpu.memory_space<hbm>>) dst(%arg11 : memref<256xi32, #tpu.memory_space<vmem>>)
    %dma_start3A_16 = arith.constant 0 : i32
    %dma_start3A_17 = arith.constant 0 : i32
    %dma_start3A_18 = tpu.memref_slice %arg6[%dma_start3A_16, %dma_start3A_17] : memref<1000x128xf32, #tpu.memory_space<hbm>> -> memref<1000x128xf32, #tpu.memory_space<hbm>>
    tpu.enqueue_indirect_dma source(%dma_start3A_18 : memref<1000x128xf32, #tpu.memory_space<hbm>>) target(%arg14 : memref<256x128xf32, #tpu.memory_space<vmem>>) offsets(%arg11 : memref<256xi32, #tpu.memory_space<vmem>>) semaphore(%arg17 : memref<!tpu.dma_semaphore, #tpu.memory_space<semaphore_mem>>)
    %dma_wait3A_19 = tpu.memref_slice %arg4[%mul3A_2] : memref<8192xi32, #tpu.memory_space<hbm>> -> memref<256xi32, #tpu.memory_space<hbm>>
    %dma_wait3A_20 = tpu.memref_slice %arg4[%mul3A_2] : memref<8192xi32, #tpu.memory_space<hbm>> -> memref<256xi32, #tpu.memory_space<hbm>>
    tpu.wait_dma2 semaphore(%arg21 : memref<!tpu.dma_semaphore, #tpu.memory_space<semaphore_mem>>) src(%dma_wait3A_20 : memref<256xi32, #tpu.memory_space<hbm>>) dst(%arg12 : memref<256xi32, #tpu.memory_space<vmem>>)
    %dma_start3A_21 = arith.constant 0 : i32
    %dma_start3A_22 = arith.constant 0 : i32
    %dma_start3A_23 = tpu.memref_slice %arg5[%dma_start3A_21, %dma_start3A_22] : memref<1000000x128xf32, #tpu.memory_space<hbm>> -> memref<1000000x128xf32, #tpu.memory_space<hbm>>
    tpu.enqueue_indirect_dma source(%dma_start3A_23 : memref<1000000x128xf32, #tpu.memory_space<hbm>>) target(%arg15 : memref<256x128xf32, #tpu.memory_space<vmem>>) offsets(%arg12 : memref<256xi32, #tpu.memory_space<vmem>>) semaphore(%arg18 : memref<!tpu.dma_semaphore, #tpu.memory_space<semaphore_mem>>)
    %dma_wait3A_24 = arith.constant 0 : i32
    %dma_wait3A_25 = arith.constant 0 : i32
    %dma_wait3A_26 = tpu.memref_slice %arg5[%dma_wait3A_24, %dma_wait3A_25] : memref<1000000x128xf32, #tpu.memory_space<hbm>> -> memref<1000000x128xf32, #tpu.memory_space<hbm>>
    tpu.wait_indirect_dma semaphore(%arg16 : memref<!tpu.dma_semaphore, #tpu.memory_space<semaphore_mem>>) src(%dma_wait3A_26 : memref<1000000x128xf32, #tpu.memory_space<hbm>>) dst(%arg13 : memref<256x128xf32, #tpu.memory_space<vmem>>)
    %dma_start3A_27 = arith.constant 0 : i32
    %dma_start3A_28 = tpu.memref_slice %arg7[%mul3A_4, %dma_start3A_27] : memref<8192x128xf32, #tpu.memory_space<hbm>> -> memref<256x128xf32, #tpu.memory_space<hbm>>
    %dma_start3A_29 = arith.constant 0 : i32
    %dma_start3A_30 = tpu.memref_slice %arg7[%mul3A_4, %dma_start3A_29] : memref<8192x128xf32, #tpu.memory_space<hbm>> -> memref<256x128xf32, #tpu.memory_space<hbm>>
    tpu.enqueue_dma source(%arg13 : memref<256x128xf32, #tpu.memory_space<vmem>>) target(%dma_start3A_30 : memref<256x128xf32, #tpu.memory_space<hbm>>) target_semaphore(%arg22 : memref<!tpu.dma_semaphore, #tpu.memory_space<semaphore_mem>>)
    %dma_wait3A_31 = arith.constant 0 : i32
    %dma_wait3A_32 = arith.constant 0 : i32
    %dma_wait3A_33 = tpu.memref_slice %arg6[%dma_wait3A_31, %dma_wait3A_32] : memref<1000x128xf32, #tpu.memory_space<hbm>> -> memref<1000x128xf32, #tpu.memory_space<hbm>>
    tpu.wait_indirect_dma semaphore(%arg17 : memref<!tpu.dma_semaphore, #tpu.memory_space<semaphore_mem>>) src(%dma_wait3A_33 : memref<1000x128xf32, #tpu.memory_space<hbm>>) dst(%arg14 : memref<256x128xf32, #tpu.memory_space<vmem>>)
    %dma_start3A_34 = arith.constant 0 : i32
    %dma_start3A_35 = tpu.memref_slice %arg8[%mul3A_4, %dma_start3A_34] : memref<8192x128xf32, #tpu.memory_space<hbm>> -> memref<256x128xf32, #tpu.memory_space<hbm>>
    %dma_start3A_36 = arith.constant 0 : i32
    %dma_start3A_37 = tpu.memref_slice %arg8[%mul3A_4, %dma_start3A_36] : memref<8192x128xf32, #tpu.memory_space<hbm>> -> memref<256x128xf32, #tpu.memory_space<hbm>>
    tpu.enqueue_dma source(%arg14 : memref<256x128xf32, #tpu.memory_space<vmem>>) target(%dma_start3A_37 : memref<256x128xf32, #tpu.memory_space<hbm>>) target_semaphore(%arg23 : memref<!tpu.dma_semaphore, #tpu.memory_space<semaphore_mem>>)
    %dma_wait3A_38 = arith.constant 0 : i32
    %dma_wait3A_39 = arith.constant 0 : i32
    %dma_wait3A_40 = tpu.memref_slice %arg5[%dma_wait3A_38, %dma_wait3A_39] : memref<1000000x128xf32, #tpu.memory_space<hbm>> -> memref<1000000x128xf32, #tpu.memory_space<hbm>>
    tpu.wait_indirect_dma semaphore(%arg18 : memref<!tpu.dma_semaphore, #tpu.memory_space<semaphore_mem>>) src(%dma_wait3A_40 : memref<1000000x128xf32, #tpu.memory_space<hbm>>) dst(%arg15 : memref<256x128xf32, #tpu.memory_space<vmem>>)
    %dma_start3A_41 = arith.constant 0 : i32
    %dma_start3A_42 = tpu.memref_slice %arg9[%mul3A_4, %dma_start3A_41] : memref<8192x128xf32, #tpu.memory_space<hbm>> -> memref<256x128xf32, #tpu.memory_space<hbm>>
    %dma_start3A_43 = arith.constant 0 : i32
    %dma_start3A_44 = tpu.memref_slice %arg9[%mul3A_4, %dma_start3A_43] : memref<8192x128xf32, #tpu.memory_space<hbm>> -> memref<256x128xf32, #tpu.memory_space<hbm>>
    tpu.enqueue_dma source(%arg15 : memref<256x128xf32, #tpu.memory_space<vmem>>) target(%dma_start3A_44 : memref<256x128xf32, #tpu.memory_space<hbm>>) target_semaphore(%arg24 : memref<!tpu.dma_semaphore, #tpu.memory_space<semaphore_mem>>)
    %dma_wait3A_45 = arith.constant 0 : i32
    %dma_wait3A_46 = tpu.memref_slice %arg7[%mul3A_4, %dma_wait3A_45] : memref<8192x128xf32, #tpu.memory_space<hbm>> -> memref<256x128xf32, #tpu.memory_space<hbm>>
    %dma_wait3A_47 = arith.constant 0 : i32
    %dma_wait3A_48 = tpu.memref_slice %arg7[%mul3A_4, %dma_wait3A_47] : memref<8192x128xf32, #tpu.memory_space<hbm>> -> memref<256x128xf32, #tpu.memory_space<hbm>>
    tpu.wait_dma2 semaphore(%arg22 : memref<!tpu.dma_semaphore, #tpu.memory_space<semaphore_mem>>) src(%arg13 : memref<256x128xf32, #tpu.memory_space<vmem>>) dst(%dma_wait3A_48 : memref<256x128xf32, #tpu.memory_space<hbm>>)
    %dma_wait3A_49 = arith.constant 0 : i32
    %dma_wait3A_50 = tpu.memref_slice %arg8[%mul3A_4, %dma_wait3A_49] : memref<8192x128xf32, #tpu.memory_space<hbm>> -> memref<256x128xf32, #tpu.memory_space<hbm>>
    %dma_wait3A_51 = arith.constant 0 : i32
    %dma_wait3A_52 = tpu.memref_slice %arg8[%mul3A_4, %dma_wait3A_51] : memref<8192x128xf32, #tpu.memory_space<hbm>> -> memref<256x128xf32, #tpu.memory_space<hbm>>
    tpu.wait_dma2 semaphore(%arg23 : memref<!tpu.dma_semaphore, #tpu.memory_space<semaphore_mem>>) src(%arg14 : memref<256x128xf32, #tpu.memory_space<vmem>>) dst(%dma_wait3A_52 : memref<256x128xf32, #tpu.memory_space<hbm>>)
    %dma_wait3A_53 = arith.constant 0 : i32
    %dma_wait3A_54 = tpu.memref_slice %arg9[%mul3A_4, %dma_wait3A_53] : memref<8192x128xf32, #tpu.memory_space<hbm>> -> memref<256x128xf32, #tpu.memory_space<hbm>>
    %dma_wait3A_55 = arith.constant 0 : i32
    %dma_wait3A_56 = tpu.memref_slice %arg9[%mul3A_4, %dma_wait3A_55] : memref<8192x128xf32, #tpu.memory_space<hbm>> -> memref<256x128xf32, #tpu.memory_space<hbm>>
    tpu.wait_dma2 semaphore(%arg24 : memref<!tpu.dma_semaphore, #tpu.memory_space<semaphore_mem>>) src(%arg15 : memref<256x128xf32, #tpu.memory_space<vmem>>) dst(%dma_wait3A_56 : memref<256x128xf32, #tpu.memory_space<hbm>>)
    return
  }
}

#map = affine_map<(d0, d1) -> (0)>
#map1 = affine_map<(d0, d1) -> (0, 0)>
module attributes {stable_mosaic.version = 14 : i64} {
  func.func @_gather_body(%arg0: i32, %arg1: i32, %arg2: memref<8192xi32, #tpu.memory_space<hbm>>, %arg3: memref<8192xi32, #tpu.memory_space<hbm>>, %arg4: memref<8192xi32, #tpu.memory_space<hbm>>, %arg5: memref<1000000x128xf32, #tpu.memory_space<hbm>>, %arg6: memref<1000x128xf32, #tpu.memory_space<hbm>>, %arg7: memref<8192x128xf32, #tpu.memory_space<hbm>>, %arg8: memref<8192x128xf32, #tpu.memory_space<hbm>>, %arg9: memref<8192x128xf32, #tpu.memory_space<hbm>>, %arg10: memref<256xi32, #tpu.memory_space<vmem>>, %arg11: memref<256xi32, #tpu.memory_space<vmem>>, %arg12: memref<256xi32, #tpu.memory_space<vmem>>, %arg13: memref<256x128xf32, #tpu.memory_space<vmem>>, %arg14: memref<256x128xf32, #tpu.memory_space<vmem>>, %arg15: memref<256x128xf32, #tpu.memory_space<vmem>>, %arg16: memref<!tpu.dma_semaphore, #tpu.memory_space<semaphore_mem>>, %arg17: memref<!tpu.dma_semaphore, #tpu.memory_space<semaphore_mem>>, %arg18: memref<!tpu.dma_semaphore, #tpu.memory_space<semaphore_mem>>, %arg19: memref<!tpu.dma_semaphore, #tpu.memory_space<semaphore_mem>>, %arg20: memref<!tpu.dma_semaphore, #tpu.memory_space<semaphore_mem>>, %arg21: memref<!tpu.dma_semaphore, #tpu.memory_space<semaphore_mem>>, %arg22: memref<!tpu.dma_semaphore, #tpu.memory_space<semaphore_mem>>, %arg23: memref<!tpu.dma_semaphore, #tpu.memory_space<semaphore_mem>>, %arg24: memref<!tpu.dma_semaphore, #tpu.memory_space<semaphore_mem>>) attributes {dimension_semantics = [#tpu.dimension_semantics<core_parallel>, #tpu.dimension_semantics<subcore_parallel>], iteration_bounds = array<i64: 2, 16>, scalar_prefetch = 0 : i64, scratch_operands = 15 : i64, tpu.core_type = #tpu.core_type<sc_vector_subcore>, window_params = [{transform_indices = #map}, {transform_indices = #map}, {transform_indices = #map}, {transform_indices = #map1}, {transform_indices = #map1}, {transform_indices = #map1}, {transform_indices = #map1}, {transform_indices = #map1}]} {
    %mul3A = arith.constant 2 : i32
    %mul3A_0 = arith.muli %arg1, %mul3A : i32
    %add3A = arith.addi %mul3A_0, %arg0 : i32
    %mul3A_1 = arith.constant 256 : i32
    %mul3A_2 = arith.muli %add3A, %mul3A_1 : i32
    %mul3A_3 = arith.constant 256 : i32
    %mul3A_4 = arith.muli %add3A, %mul3A_3 : i32
    %dma_start3A = tpu.memref_slice %arg2[%mul3A_2] : memref<8192xi32, #tpu.memory_space<hbm>> -> memref<256xi32, #tpu.memory_space<hbm>>
    %dma_start3A_5 = tpu.memref_slice %arg2[%mul3A_2] : memref<8192xi32, #tpu.memory_space<hbm>> -> memref<256xi32, #tpu.memory_space<hbm>>
    tpu.enqueue_dma source(%dma_start3A_5 : memref<256xi32, #tpu.memory_space<hbm>>) target(%arg10 : memref<256xi32, #tpu.memory_space<vmem>>) target_semaphore(%arg19 : memref<!tpu.dma_semaphore, #tpu.memory_space<semaphore_mem>>)
    %dma_start3A_6 = tpu.memref_slice %arg3[%mul3A_2] : memref<8192xi32, #tpu.memory_space<hbm>> -> memref<256xi32, #tpu.memory_space<hbm>>
    %dma_start3A_7 = tpu.memref_slice %arg3[%mul3A_2] : memref<8192xi32, #tpu.memory_space<hbm>> -> memref<256xi32, #tpu.memory_space<hbm>>
    tpu.enqueue_dma source(%dma_start3A_7 : memref<256xi32, #tpu.memory_space<hbm>>) target(%arg11 : memref<256xi32, #tpu.memory_space<vmem>>) target_semaphore(%arg20 : memref<!tpu.dma_semaphore, #tpu.memory_space<semaphore_mem>>)
    %dma_start3A_8 = tpu.memref_slice %arg4[%mul3A_2] : memref<8192xi32, #tpu.memory_space<hbm>> -> memref<256xi32, #tpu.memory_space<hbm>>
    %dma_start3A_9 = tpu.memref_slice %arg4[%mul3A_2] : memref<8192xi32, #tpu.memory_space<hbm>> -> memref<256xi32, #tpu.memory_space<hbm>>
    tpu.enqueue_dma source(%dma_start3A_9 : memref<256xi32, #tpu.memory_space<hbm>>) target(%arg12 : memref<256xi32, #tpu.memory_space<vmem>>) target_semaphore(%arg21 : memref<!tpu.dma_semaphore, #tpu.memory_space<semaphore_mem>>)
    %dma_wait3A = tpu.memref_slice %arg2[%mul3A_2] : memref<8192xi32, #tpu.memory_space<hbm>> -> memref<256xi32, #tpu.memory_space<hbm>>
    %dma_wait3A_10 = tpu.memref_slice %arg2[%mul3A_2] : memref<8192xi32, #tpu.memory_space<hbm>> -> memref<256xi32, #tpu.memory_space<hbm>>
    tpu.wait_dma2 semaphore(%arg19 : memref<!tpu.dma_semaphore, #tpu.memory_space<semaphore_mem>>) src(%dma_wait3A_10 : memref<256xi32, #tpu.memory_space<hbm>>) dst(%arg10 : memref<256xi32, #tpu.memory_space<vmem>>)
    %dma_start3A_11 = arith.constant 0 : i32
    %dma_start3A_12 = arith.constant 0 : i32
    %dma_start3A_13 = tpu.memref_slice %arg5[%dma_start3A_11, %dma_start3A_12] : memref<1000000x128xf32, #tpu.memory_space<hbm>> -> memref<1000000x128xf32, #tpu.memory_space<hbm>>
    tpu.enqueue_indirect_dma source(%dma_start3A_13 : memref<1000000x128xf32, #tpu.memory_space<hbm>>) target(%arg13 : memref<256x128xf32, #tpu.memory_space<vmem>>) offsets(%arg10 : memref<256xi32, #tpu.memory_space<vmem>>) semaphore(%arg16 : memref<!tpu.dma_semaphore, #tpu.memory_space<semaphore_mem>>)
    %dma_wait3A_14 = tpu.memref_slice %arg3[%mul3A_2] : memref<8192xi32, #tpu.memory_space<hbm>> -> memref<256xi32, #tpu.memory_space<hbm>>
    %dma_wait3A_15 = tpu.memref_slice %arg3[%mul3A_2] : memref<8192xi32, #tpu.memory_space<hbm>> -> memref<256xi32, #tpu.memory_space<hbm>>
    tpu.wait_dma2 semaphore(%arg20 : memref<!tpu.dma_semaphore, #tpu.memory_space<semaphore_mem>>) src(%dma_wait3A_15 : memref<256xi32, #tpu.memory_space<hbm>>) dst(%arg11 : memref<256xi32, #tpu.memory_space<vmem>>)
    %dma_start3A_16 = arith.constant 0 : i32
    %dma_start3A_17 = arith.constant 0 : i32
    %dma_start3A_18 = tpu.memref_slice %arg6[%dma_start3A_16, %dma_start3A_17] : memref<1000x128xf32, #tpu.memory_space<hbm>> -> memref<1000x128xf32, #tpu.memory_space<hbm>>
    tpu.enqueue_indirect_dma source(%dma_start3A_18 : memref<1000x128xf32, #tpu.memory_space<hbm>>) target(%arg14 : memref<256x128xf32, #tpu.memory_space<vmem>>) offsets(%arg11 : memref<256xi32, #tpu.memory_space<vmem>>) semaphore(%arg17 : memref<!tpu.dma_semaphore, #tpu.memory_space<semaphore_mem>>)
    %dma_wait3A_19 = tpu.memref_slice %arg4[%mul3A_2] : memref<8192xi32, #tpu.memory_space<hbm>> -> memref<256xi32, #tpu.memory_space<hbm>>
    %dma_wait3A_20 = tpu.memref_slice %arg4[%mul3A_2] : memref<8192xi32, #tpu.memory_space<hbm>> -> memref<256xi32, #tpu.memory_space<hbm>>
    tpu.wait_dma2 semaphore(%arg21 : memref<!tpu.dma_semaphore, #tpu.memory_space<semaphore_mem>>) src(%dma_wait3A_20 : memref<256xi32, #tpu.memory_space<hbm>>) dst(%arg12 : memref<256xi32, #tpu.memory_space<vmem>>)
    %dma_start3A_21 = arith.constant 0 : i32
    %dma_start3A_22 = arith.constant 0 : i32
    %dma_start3A_23 = tpu.memref_slice %arg5[%dma_start3A_21, %dma_start3A_22] : memref<1000000x128xf32, #tpu.memory_space<hbm>> -> memref<1000000x128xf32, #tpu.memory_space<hbm>>
    tpu.enqueue_indirect_dma source(%dma_start3A_23 : memref<1000000x128xf32, #tpu.memory_space<hbm>>) target(%arg15 : memref<256x128xf32, #tpu.memory_space<vmem>>) offsets(%arg12 : memref<256xi32, #tpu.memory_space<vmem>>) semaphore(%arg18 : memref<!tpu.dma_semaphore, #tpu.memory_space<semaphore_mem>>)
    %dma_wait3A_24 = arith.constant 0 : i32
    %dma_wait3A_25 = arith.constant 0 : i32
    %dma_wait3A_26 = tpu.memref_slice %arg5[%dma_wait3A_24, %dma_wait3A_25] : memref<1000000x128xf32, #tpu.memory_space<hbm>> -> memref<1000000x128xf32, #tpu.memory_space<hbm>>
    tpu.wait_indirect_dma semaphore(%arg16 : memref<!tpu.dma_semaphore, #tpu.memory_space<semaphore_mem>>) src(%dma_wait3A_26 : memref<1000000x128xf32, #tpu.memory_space<hbm>>) dst(%arg13 : memref<256x128xf32, #tpu.memory_space<vmem>>)
    %dma_start3A_27 = arith.constant 0 : i32
    %dma_start3A_28 = tpu.memref_slice %arg7[%mul3A_4, %dma_start3A_27] : memref<8192x128xf32, #tpu.memory_space<hbm>> -> memref<256x128xf32, #tpu.memory_space<hbm>>
    %dma_start3A_29 = arith.constant 0 : i32
    %dma_start3A_30 = tpu.memref_slice %arg7[%mul3A_4, %dma_start3A_29] : memref<8192x128xf32, #tpu.memory_space<hbm>> -> memref<256x128xf32, #tpu.memory_space<hbm>>
    tpu.enqueue_dma source(%arg13 : memref<256x128xf32, #tpu.memory_space<vmem>>) target(%dma_start3A_30 : memref<256x128xf32, #tpu.memory_space<hbm>>) target_semaphore(%arg22 : memref<!tpu.dma_semaphore, #tpu.memory_space<semaphore_mem>>)
    %dma_wait3A_31 = arith.constant 0 : i32
    %dma_wait3A_32 = arith.constant 0 : i32
    %dma_wait3A_33 = tpu.memref_slice %arg6[%dma_wait3A_31, %dma_wait3A_32] : memref<1000x128xf32, #tpu.memory_space<hbm>> -> memref<1000x128xf32, #tpu.memory_space<hbm>>
    tpu.wait_indirect_dma semaphore(%arg17 : memref<!tpu.dma_semaphore, #tpu.memory_space<semaphore_mem>>) src(%dma_wait3A_33 : memref<1000x128xf32, #tpu.memory_space<hbm>>) dst(%arg14 : memref<256x128xf32, #tpu.memory_space<vmem>>)
    %dma_start3A_34 = arith.constant 0 : i32
    %dma_start3A_35 = tpu.memref_slice %arg8[%mul3A_4, %dma_start3A_34] : memref<8192x128xf32, #tpu.memory_space<hbm>> -> memref<256x128xf32, #tpu.memory_space<hbm>>
    %dma_start3A_36 = arith.constant 0 : i32
    %dma_start3A_37 = tpu.memref_slice %arg8[%mul3A_4, %dma_start3A_36] : memref<8192x128xf32, #tpu.memory_space<hbm>> -> memref<256x128xf32, #tpu.memory_space<hbm>>
    tpu.enqueue_dma source(%arg14 : memref<256x128xf32, #tpu.memory_space<vmem>>) target(%dma_start3A_37 : memref<256x128xf32, #tpu.memory_space<hbm>>) target_semaphore(%arg23 : memref<!tpu.dma_semaphore, #tpu.memory_space<semaphore_mem>>)
    %dma_wait3A_38 = arith.constant 0 : i32
    %dma_wait3A_39 = arith.constant 0 : i32
    %dma_wait3A_40 = tpu.memref_slice %arg5[%dma_wait3A_38, %dma_wait3A_39] : memref<1000000x128xf32, #tpu.memory_space<hbm>> -> memref<1000000x128xf32, #tpu.memory_space<hbm>>
    tpu.wait_indirect_dma semaphore(%arg18 : memref<!tpu.dma_semaphore, #tpu.memory_space<semaphore_mem>>) src(%dma_wait3A_40 : memref<1000000x128xf32, #tpu.memory_space<hbm>>) dst(%arg15 : memref<256x128xf32, #tpu.memory_space<vmem>>)
    %dma_start3A_41 = arith.constant 0 : i32
    %dma_start3A_42 = tpu.memref_slice %arg9[%mul3A_4, %dma_start3A_41] : memref<8192x128xf32, #tpu.memory_space<hbm>> -> memref<256x128xf32, #tpu.memory_space<hbm>>
    %dma_start3A_43 = arith.constant 0 : i32
    %dma_start3A_44 = tpu.memref_slice %arg9[%mul3A_4, %dma_start3A_43] : memref<8192x128xf32, #tpu.memory_space<hbm>> -> memref<256x128xf32, #tpu.memory_space<hbm>>
    tpu.enqueue_dma source(%arg15 : memref<256x128xf32, #tpu.memory_space<vmem>>) target(%dma_start3A_44 : memref<256x128xf32, #tpu.memory_space<hbm>>) target_semaphore(%arg24 : memref<!tpu.dma_semaphore, #tpu.memory_space<semaphore_mem>>)
    %dma_wait3A_45 = arith.constant 0 : i32
    %dma_wait3A_46 = tpu.memref_slice %arg7[%mul3A_4, %dma_wait3A_45] : memref<8192x128xf32, #tpu.memory_space<hbm>> -> memref<256x128xf32, #tpu.memory_space<hbm>>
    %dma_wait3A_47 = arith.constant 0 : i32
    %dma_wait3A_48 = tpu.memref_slice %arg7[%mul3A_4, %dma_wait3A_47] : memref<8192x128xf32, #tpu.memory_space<hbm>> -> memref<256x128xf32, #tpu.memory_space<hbm>>
    tpu.wait_dma2 semaphore(%arg22 : memref<!tpu.dma_semaphore, #tpu.memory_space<semaphore_mem>>) src(%arg13 : memref<256x128xf32, #tpu.memory_space<vmem>>) dst(%dma_wait3A_48 : memref<256x128xf32, #tpu.memory_space<hbm>>)
    %dma_wait3A_49 = arith.constant 0 : i32
    %dma_wait3A_50 = tpu.memref_slice %arg8[%mul3A_4, %dma_wait3A_49] : memref<8192x128xf32, #tpu.memory_space<hbm>> -> memref<256x128xf32, #tpu.memory_space<hbm>>
    %dma_wait3A_51 = arith.constant 0 : i32
    %dma_wait3A_52 = tpu.memref_slice %arg8[%mul3A_4, %dma_wait3A_51] : memref<8192x128xf32, #tpu.memory_space<hbm>> -> memref<256x128xf32, #tpu.memory_space<hbm>>
    tpu.wait_dma2 semaphore(%arg23 : memref<!tpu.dma_semaphore, #tpu.memory_space<semaphore_mem>>) src(%arg14 : memref<256x128xf32, #tpu.memory_space<vmem>>) dst(%dma_wait3A_52 : memref<256x128xf32, #tpu.memory_space<hbm>>)
    %dma_wait3A_53 = arith.constant 0 : i32
    %dma_wait3A_54 = tpu.memref_slice %arg9[%mul3A_4, %dma_wait3A_53] : memref<8192x128xf32, #tpu.memory_space<hbm>> -> memref<256x128xf32, #tpu.memory_space<hbm>>
    %dma_wait3A_55 = arith.constant 0 : i32
    %dma_wait3A_56 = tpu.memref_slice %arg9[%mul3A_4, %dma_wait3A_55] : memref<8192x128xf32, #tpu.memory_space<hbm>> -> memref<256x128xf32, #tpu.memory_space<hbm>>
    tpu.wait_dma2 semaphore(%arg24 : memref<!tpu.dma_semaphore, #tpu.memory_space<semaphore_mem>>) src(%arg15 : memref<256x128xf32, #tpu.memory_space<vmem>>) dst(%dma_wait3A_56 : memref<256x128xf32, #tpu.memory_space<hbm>>)
    return
  }
}

module attributes {stable_mosaic.version = 14 : i64} {
  func.func @_mlp_body(%arg0: i32, %arg1: memref<4096x128xf32, #tpu.memory_space<vmem>>, %arg2: memref<4096x128xf32, #tpu.memory_space<vmem>>, %arg3: memref<4096x128xf32, #tpu.memory_space<vmem>>, %arg4: memref<128x256xf32, #tpu.memory_space<vmem>>, %arg5: memref<128x256xf32, #tpu.memory_space<vmem>>, %arg6: memref<128x256xf32, #tpu.memory_space<vmem>>, %arg7: memref<1x256xf32, #tpu.memory_space<vmem>>, %arg8: memref<256x128xf32, #tpu.memory_space<vmem>>, %arg9: memref<1x128xf32, #tpu.memory_space<vmem>>, %arg10: memref<1x128xf32, #tpu.memory_space<vmem>>, %arg11: memref<1xf32, #tpu.memory_space<smem>>, %arg12: memref<1x1x4096xf32, #tpu.memory_space<vmem>>) attributes {dimension_semantics = [#tpu.dimension_semantics<arbitrary>], iteration_bounds = array<i64: 2>, scalar_prefetch = 0 : i64, scratch_operands = 0 : i64, tpu.core_type = #tpu.core_type<tc>, window_params = [{transform_indices = @transform_0, window_bounds = array<i64: 4096, 128>}, {transform_indices = @transform_1, window_bounds = array<i64: 4096, 128>}, {transform_indices = @transform_2, window_bounds = array<i64: 4096, 128>}, {pipeline_mode = #tpu.pipeline_mode<synchronous>, transform_indices = @transform_3, window_bounds = array<i64: 128, 256>}, {pipeline_mode = #tpu.pipeline_mode<synchronous>, transform_indices = @transform_4, window_bounds = array<i64: 128, 256>}, {pipeline_mode = #tpu.pipeline_mode<synchronous>, transform_indices = @transform_5, window_bounds = array<i64: 128, 256>}, {pipeline_mode = #tpu.pipeline_mode<synchronous>, transform_indices = @transform_6, window_bounds = array<i64: 1, 256>}, {pipeline_mode = #tpu.pipeline_mode<synchronous>, transform_indices = @transform_7, window_bounds = array<i64: 256, 128>}, {pipeline_mode = #tpu.pipeline_mode<synchronous>, transform_indices = @transform_8, window_bounds = array<i64: 1, 128>}, {pipeline_mode = #tpu.pipeline_mode<synchronous>, transform_indices = @transform_9, window_bounds = array<i64: 1, 128>}, {transform_indices = @transform_10, window_bounds = array<i64: 1>}, {transform_indices = @transform_11, window_bounds = array<i64: 1, 1, 4096>}]} {
    %get3A = arith.constant 0 : index
    %get3A_0 = arith.constant 0 : index
    %get3A_1 = vector.load %arg1[%get3A, %get3A_0] : memref<4096x128xf32, #tpu.memory_space<vmem>>, vector<4096x128xf32>
    %get3A_2 = arith.constant 0 : index
    %get3A_3 = arith.constant 0 : index
    %get3A_4 = vector.load %arg4[%get3A_2, %get3A_3] : memref<128x256xf32, #tpu.memory_space<vmem>>, vector<128x256xf32>
    %dot_general3A = arith.constant dense<0.000000e+00> : vector<4096x256xf32>
    %dot_general3A_5 = tpu.matmul %get3A_1, %get3A_4, %dot_general3A {dimension_numbers = #tpu.dot_dimension_numbers<[1], [0], [0], [1], [0, 0, 1, 1], [], []>, transpose_lhs_hint = false} : vector<4096x128xf32>, vector<128x256xf32>, vector<4096x256xf32> -> vector<4096x256xf32>
    %get3A_6 = arith.constant 0 : index
    %get3A_7 = arith.constant 0 : index
    %get3A_8 = vector.load %arg2[%get3A_6, %get3A_7] : memref<4096x128xf32, #tpu.memory_space<vmem>>, vector<4096x128xf32>
    %get3A_9 = arith.constant 0 : index
    %get3A_10 = arith.constant 0 : index
    %get3A_11 = vector.load %arg5[%get3A_9, %get3A_10] : memref<128x256xf32, #tpu.memory_space<vmem>>, vector<128x256xf32>
    %dot_general3A_12 = arith.constant dense<0.000000e+00> : vector<4096x256xf32>
    %dot_general3A_13 = tpu.matmul %get3A_8, %get3A_11, %dot_general3A_12 {dimension_numbers = #tpu.dot_dimension_numbers<[1], [0], [0], [1], [0, 0, 1, 1], [], []>, transpose_lhs_hint = false} : vector<4096x128xf32>, vector<128x256xf32>, vector<4096x256xf32> -> vector<4096x256xf32>
    %add3A = arith.addf %dot_general3A_5, %dot_general3A_13 : vector<4096x256xf32>
    %get3A_14 = arith.constant 0 : index
    %get3A_15 = arith.constant 0 : index
    %get3A_16 = vector.load %arg3[%get3A_14, %get3A_15] : memref<4096x128xf32, #tpu.memory_space<vmem>>, vector<4096x128xf32>
    %get3A_17 = arith.constant 0 : index
    %get3A_18 = arith.constant 0 : index
    %get3A_19 = vector.load %arg6[%get3A_17, %get3A_18] : memref<128x256xf32, #tpu.memory_space<vmem>>, vector<128x256xf32>
    %dot_general3A_20 = arith.constant dense<0.000000e+00> : vector<4096x256xf32>
    %dot_general3A_21 = tpu.matmul %get3A_16, %get3A_19, %dot_general3A_20 {dimension_numbers = #tpu.dot_dimension_numbers<[1], [0], [0], [1], [0, 0, 1, 1], [], []>, transpose_lhs_hint = false} : vector<4096x128xf32>, vector<128x256xf32>, vector<4096x256xf32> -> vector<4096x256xf32>
    %add3A_22 = arith.addf %add3A, %dot_general3A_21 : vector<4096x256xf32>
    %get3A_23 = arith.constant 0 : index
    %get3A_24 = arith.constant 0 : index
    %get3A_25 = vector.load %arg7[%get3A_23, %get3A_24] : memref<1x256xf32, #tpu.memory_space<vmem>>, vector<1x256xf32>
    %add3A_26 = vector.broadcast %get3A_25 : vector<1x256xf32> to vector<4096x256xf32>
    %add3A_27 = arith.addf %add3A_22, %add3A_26 : vector<4096x256xf32>
    %max3A = arith.constant 0.000000e+00 : f32
    %max3A_28 = vector.broadcast %max3A : f32 to vector<4096x256xf32>
    %max3A_29 = arith.maximumf %add3A_27, %max3A_28 : vector<4096x256xf32>
    %get3A_30 = arith.constant 0 : index
    %get3A_31 = arith.constant 0 : index
    %get3A_32 = vector.load %arg8[%get3A_30, %get3A_31] : memref<256x128xf32, #tpu.memory_space<vmem>>, vector<256x128xf32>
    %dot_general3A_33 = arith.constant dense<0.000000e+00> : vector<4096x128xf32>
    %dot_general3A_34 = tpu.matmul %max3A_29, %get3A_32, %dot_general3A_33 {dimension_numbers = #tpu.dot_dimension_numbers<[1], [0], [0], [1], [0, 0, 1, 1], [], []>, transpose_lhs_hint = false} : vector<4096x256xf32>, vector<256x128xf32>, vector<4096x128xf32> -> vector<4096x128xf32>
    %get3A_35 = arith.constant 0 : index
    %get3A_36 = arith.constant 0 : index
    %get3A_37 = vector.load %arg9[%get3A_35, %get3A_36] : memref<1x128xf32, #tpu.memory_space<vmem>>, vector<1x128xf32>
    %add3A_38 = vector.broadcast %get3A_37 : vector<1x128xf32> to vector<4096x128xf32>
    %add3A_39 = arith.addf %dot_general3A_34, %add3A_38 : vector<4096x128xf32>
    %max3A_40 = arith.constant 0.000000e+00 : f32
    %max3A_41 = vector.broadcast %max3A_40 : f32 to vector<4096x128xf32>
    %max3A_42 = arith.maximumf %add3A_39, %max3A_41 : vector<4096x128xf32>
    %get3A_43 = arith.constant 0 : index
    %get3A_44 = arith.constant 0 : index
    %get3A_45 = vector.load %arg10[%get3A_43, %get3A_44] : memref<1x128xf32, #tpu.memory_space<vmem>>, vector<1x128xf32>
    %dot_general3A_46 = arith.constant dense<0.000000e+00> : vector<1x4096xf32>
    %dot_general3A_47 = tpu.matmul %get3A_45, %max3A_42, %dot_general3A_46 {dimension_numbers = #tpu.dot_dimension_numbers<[1], [1], [0], [0], [0, 0, 1, 0], [], []>, transpose_lhs_hint = false} : vector<1x128xf32>, vector<4096x128xf32>, vector<1x4096xf32> -> vector<1x4096xf32>
    %get3A_48 = arith.constant 0 : index
    %get3A_49 = memref.load %arg11[%get3A_48] : memref<1xf32, #tpu.memory_space<smem>>
    %add3A_50 = vector.broadcast %get3A_49 : f32 to vector<1x4096xf32>
    %add3A_51 = arith.addf %dot_general3A_47, %add3A_50 : vector<1x4096xf32>
    %logistic3A = arith.negf %add3A_51 : vector<1x4096xf32>
    %logistic3A_52 = math.exp %logistic3A : vector<1x4096xf32>
    %logistic3A_53 = arith.constant 1.000000e+00 : f32
    %logistic3A_54 = vector.broadcast %logistic3A_53 : f32 to vector<1x4096xf32>
    %logistic3A_55 = arith.addf %logistic3A_54, %logistic3A_52 : vector<1x4096xf32>
    %logistic3A_56 = arith.divf %logistic3A_54, %logistic3A_55 : vector<1x4096xf32>
    %reshape3A = vector.shape_cast %logistic3A_56 : vector<1x4096xf32> to vector<1x1x4096xf32>
    %swap3A = arith.constant 0 : index
    %swap3A_57 = arith.constant 0 : index
    %swap3A_58 = arith.constant 0 : index
    %swap3A_59 = vector.load %arg12[%swap3A, %swap3A_57, %swap3A_58] : memref<1x1x4096xf32, #tpu.memory_space<vmem>>, vector<1x1x4096xf32>
    tpu.vector_store %arg12[%swap3A, %swap3A_57, %swap3A_58], %reshape3A {strides = array<i32>} : memref<1x1x4096xf32, #tpu.memory_space<vmem>>, vector<1x1x4096xf32>,
    return
  }
  func.func @transform_0(%arg0: i32) -> (i32, i32) {
    %c0_i32 = arith.constant 0 : i32
    %c0_i32_0 = arith.constant 0 : i32
    return %arg0, %c0_i32 : i32, i32
  }
  func.func @transform_1(%arg0: i32) -> (i32, i32) {
    %c0_i32 = arith.constant 0 : i32
    %c0_i32_0 = arith.constant 0 : i32
    return %arg0, %c0_i32 : i32, i32
  }
  func.func @transform_2(%arg0: i32) -> (i32, i32) {
    %c0_i32 = arith.constant 0 : i32
    %c0_i32_0 = arith.constant 0 : i32
    return %arg0, %c0_i32 : i32, i32
  }
  func.func @transform_3(%arg0: i32) -> (i32, i32) {
    %c0_i32 = arith.constant 0 : i32
    %c0_i32_0 = arith.constant 0 : i32
    %c0_i32_1 = arith.constant 0 : i32
    return %c0_i32, %c0_i32_0 : i32, i32
  }
  func.func @transform_4(%arg0: i32) -> (i32, i32) {
    %c0_i32 = arith.constant 0 : i32
    %c0_i32_0 = arith.constant 0 : i32
    %c0_i32_1 = arith.constant 0 : i32
    return %c0_i32, %c0_i32_0 : i32, i32
  }
  func.func @transform_5(%arg0: i32) -> (i32, i32) {
    %c0_i32 = arith.constant 0 : i32
    %c0_i32_0 = arith.constant 0 : i32
    %c0_i32_1 = arith.constant 0 : i32
    return %c0_i32, %c0_i32_0 : i32, i32
  }
  func.func @transform_6(%arg0: i32) -> (i32, i32) {
    %c0_i32 = arith.constant 0 : i32
    %c0_i32_0 = arith.constant 0 : i32
    %c0_i32_1 = arith.constant 0 : i32
    return %c0_i32, %c0_i32_0 : i32, i32
  }
  func.func @transform_7(%arg0: i32) -> (i32, i32) {
    %c0_i32 = arith.constant 0 : i32
    %c0_i32_0 = arith.constant 0 : i32
    %c0_i32_1 = arith.constant 0 : i32
    return %c0_i32, %c0_i32_0 : i32, i32
  }
  func.func @transform_8(%arg0: i32) -> (i32, i32) {
    %c0_i32 = arith.constant 0 : i32
    %c0_i32_0 = arith.constant 0 : i32
    %c0_i32_1 = arith.constant 0 : i32
    return %c0_i32, %c0_i32_0 : i32, i32
  }
  func.func @transform_9(%arg0: i32) -> (i32, i32) {
    %c0_i32 = arith.constant 0 : i32
    %c0_i32_0 = arith.constant 0 : i32
    %c0_i32_1 = arith.constant 0 : i32
    return %c0_i32, %c0_i32_0 : i32, i32
  }
  func.func @transform_10(%arg0: i32) -> i32 {
    %c0_i32 = arith.constant 0 : i32
    %c0_i32_0 = arith.constant 0 : i32
    return %c0_i32 : i32
  }
  func.func @transform_11(%arg0: i32) -> (i32, i32, i32) {
    %add3A = arith.constant 0 : i32
    %add3A_0 = arith.addi %arg0, %add3A : i32
    %c0_i32 = arith.constant 0 : i32
    %c0_i32_1 = arith.constant 0 : i32
    %c0_i32_2 = arith.constant 0 : i32
    return %add3A_0, %c0_i32, %c0_i32_1 : i32, i32, i32
  }
}

module attributes {stable_mosaic.version = 14 : i64} {
  func.func @_mlp_body_aliased(%arg0: i32, %arg1: memref<4096x128xf32, #tpu.memory_space<vmem>>, %arg2: memref<4096x128xf32, #tpu.memory_space<vmem>>, %arg3: memref<4096x128xf32, #tpu.memory_space<vmem>>, %arg4: memref<128x256xf32, #tpu.memory_space<vmem>>, %arg5: memref<128x256xf32, #tpu.memory_space<vmem>>, %arg6: memref<128x256xf32, #tpu.memory_space<vmem>>, %arg7: memref<1x256xf32, #tpu.memory_space<vmem>>, %arg8: memref<256x128xf32, #tpu.memory_space<vmem>>, %arg9: memref<1x128xf32, #tpu.memory_space<vmem>>, %arg10: memref<1x128xf32, #tpu.memory_space<vmem>>, %arg11: memref<1xf32, #tpu.memory_space<smem>>, %arg12: memref<4x1x4096xf32, #tpu.memory_space<any>>, %arg13: memref<1x1x4096xf32, #tpu.memory_space<vmem>>) attributes {dimension_semantics = [#tpu.dimension_semantics<arbitrary>], iteration_bounds = array<i64: 2>, scalar_prefetch = 0 : i64, scratch_operands = 0 : i64, tpu.core_type = #tpu.core_type<tc>, window_params = [{transform_indices = @transform_0, window_bounds = array<i64: 4096, 128>}, {transform_indices = @transform_1, window_bounds = array<i64: 4096, 128>}, {transform_indices = @transform_2, window_bounds = array<i64: 4096, 128>}, {pipeline_mode = #tpu.pipeline_mode<synchronous>, transform_indices = @transform_3, window_bounds = array<i64: 128, 256>}, {pipeline_mode = #tpu.pipeline_mode<synchronous>, transform_indices = @transform_4, window_bounds = array<i64: 128, 256>}, {pipeline_mode = #tpu.pipeline_mode<synchronous>, transform_indices = @transform_5, window_bounds = array<i64: 128, 256>}, {pipeline_mode = #tpu.pipeline_mode<synchronous>, transform_indices = @transform_6, window_bounds = array<i64: 1, 256>}, {pipeline_mode = #tpu.pipeline_mode<synchronous>, transform_indices = @transform_7, window_bounds = array<i64: 256, 128>}, {pipeline_mode = #tpu.pipeline_mode<synchronous>, transform_indices = @transform_8, window_bounds = array<i64: 1, 128>}, {pipeline_mode = #tpu.pipeline_mode<synchronous>, transform_indices = @transform_9, window_bounds = array<i64: 1, 128>}, {transform_indices = @transform_10, window_bounds = array<i64: 1>}, {}, {transform_indices = @transform_12, window_bounds = array<i64: 1, 1, 4096>}]} {
    %get3A = arith.constant 0 : index
    %get3A_0 = arith.constant 0 : index
    %get3A_1 = vector.load %arg1[%get3A, %get3A_0] : memref<4096x128xf32, #tpu.memory_space<vmem>>, vector<4096x128xf32>
    %get3A_2 = arith.constant 0 : index
    %get3A_3 = arith.constant 0 : index
    %get3A_4 = vector.load %arg4[%get3A_2, %get3A_3] : memref<128x256xf32, #tpu.memory_space<vmem>>, vector<128x256xf32>
    %dot_general3A = arith.constant dense<0.000000e+00> : vector<4096x256xf32>
    %dot_general3A_5 = tpu.matmul %get3A_1, %get3A_4, %dot_general3A {dimension_numbers = #tpu.dot_dimension_numbers<[1], [0], [0], [1], [0, 0, 1, 1], [], []>, transpose_lhs_hint = false} : vector<4096x128xf32>, vector<128x256xf32>, vector<4096x256xf32> -> vector<4096x256xf32>
    %get3A_6 = arith.constant 0 : index
    %get3A_7 = arith.constant 0 : index
    %get3A_8 = vector.load %arg2[%get3A_6, %get3A_7] : memref<4096x128xf32, #tpu.memory_space<vmem>>, vector<4096x128xf32>
    %get3A_9 = arith.constant 0 : index
    %get3A_10 = arith.constant 0 : index
    %get3A_11 = vector.load %arg5[%get3A_9, %get3A_10] : memref<128x256xf32, #tpu.memory_space<vmem>>, vector<128x256xf32>
    %dot_general3A_12 = arith.constant dense<0.000000e+00> : vector<4096x256xf32>
    %dot_general3A_13 = tpu.matmul %get3A_8, %get3A_11, %dot_general3A_12 {dimension_numbers = #tpu.dot_dimension_numbers<[1], [0], [0], [1], [0, 0, 1, 1], [], []>, transpose_lhs_hint = false} : vector<4096x128xf32>, vector<128x256xf32>, vector<4096x256xf32> -> vector<4096x256xf32>
    %add3A = arith.addf %dot_general3A_5, %dot_general3A_13 : vector<4096x256xf32>
    %get3A_14 = arith.constant 0 : index
    %get3A_15 = arith.constant 0 : index
    %get3A_16 = vector.load %arg3[%get3A_14, %get3A_15] : memref<4096x128xf32, #tpu.memory_space<vmem>>, vector<4096x128xf32>
    %get3A_17 = arith.constant 0 : index
    %get3A_18 = arith.constant 0 : index
    %get3A_19 = vector.load %arg6[%get3A_17, %get3A_18] : memref<128x256xf32, #tpu.memory_space<vmem>>, vector<128x256xf32>
    %dot_general3A_20 = arith.constant dense<0.000000e+00> : vector<4096x256xf32>
    %dot_general3A_21 = tpu.matmul %get3A_16, %get3A_19, %dot_general3A_20 {dimension_numbers = #tpu.dot_dimension_numbers<[1], [0], [0], [1], [0, 0, 1, 1], [], []>, transpose_lhs_hint = false} : vector<4096x128xf32>, vector<128x256xf32>, vector<4096x256xf32> -> vector<4096x256xf32>
    %add3A_22 = arith.addf %add3A, %dot_general3A_21 : vector<4096x256xf32>
    %get3A_23 = arith.constant 0 : index
    %get3A_24 = arith.constant 0 : index
    %get3A_25 = vector.load %arg7[%get3A_23, %get3A_24] : memref<1x256xf32, #tpu.memory_space<vmem>>, vector<1x256xf32>
    %add3A_26 = vector.broadcast %get3A_25 : vector<1x256xf32> to vector<4096x256xf32>
    %add3A_27 = arith.addf %add3A_22, %add3A_26 : vector<4096x256xf32>
    %max3A = arith.constant 0.000000e+00 : f32
    %max3A_28 = vector.broadcast %max3A : f32 to vector<4096x256xf32>
    %max3A_29 = arith.maximumf %add3A_27, %max3A_28 : vector<4096x256xf32>
    %get3A_30 = arith.constant 0 : index
    %get3A_31 = arith.constant 0 : index
    %get3A_32 = vector.load %arg8[%get3A_30, %get3A_31] : memref<256x128xf32, #tpu.memory_space<vmem>>, vector<256x128xf32>
    %dot_general3A_33 = arith.constant dense<0.000000e+00> : vector<4096x128xf32>
    %dot_general3A_34 = tpu.matmul %max3A_29, %get3A_32, %dot_general3A_33 {dimension_numbers = #tpu.dot_dimension_numbers<[1], [0], [0], [1], [0, 0, 1, 1], [], []>, transpose_lhs_hint = false} : vector<4096x256xf32>, vector<256x128xf32>, vector<4096x128xf32> -> vector<4096x128xf32>
    %get3A_35 = arith.constant 0 : index
    %get3A_36 = arith.constant 0 : index
    %get3A_37 = vector.load %arg9[%get3A_35, %get3A_36] : memref<1x128xf32, #tpu.memory_space<vmem>>, vector<1x128xf32>
    %add3A_38 = vector.broadcast %get3A_37 : vector<1x128xf32> to vector<4096x128xf32>
    %add3A_39 = arith.addf %dot_general3A_34, %add3A_38 : vector<4096x128xf32>
    %max3A_40 = arith.constant 0.000000e+00 : f32
    %max3A_41 = vector.broadcast %max3A_40 : f32 to vector<4096x128xf32>
    %max3A_42 = arith.maximumf %add3A_39, %max3A_41 : vector<4096x128xf32>
    %get3A_43 = arith.constant 0 : index
    %get3A_44 = arith.constant 0 : index
    %get3A_45 = vector.load %arg10[%get3A_43, %get3A_44] : memref<1x128xf32, #tpu.memory_space<vmem>>, vector<1x128xf32>
    %dot_general3A_46 = arith.constant dense<0.000000e+00> : vector<1x4096xf32>
    %dot_general3A_47 = tpu.matmul %get3A_45, %max3A_42, %dot_general3A_46 {dimension_numbers = #tpu.dot_dimension_numbers<[1], [1], [0], [0], [0, 0, 1, 0], [], []>, transpose_lhs_hint = false} : vector<1x128xf32>, vector<4096x128xf32>, vector<1x4096xf32> -> vector<1x4096xf32>
    %get3A_48 = arith.constant 0 : index
    %get3A_49 = memref.load %arg11[%get3A_48] : memref<1xf32, #tpu.memory_space<smem>>
    %add3A_50 = vector.broadcast %get3A_49 : f32 to vector<1x4096xf32>
    %add3A_51 = arith.addf %dot_general3A_47, %add3A_50 : vector<1x4096xf32>
    %logistic3A = arith.negf %add3A_51 : vector<1x4096xf32>
    %logistic3A_52 = math.exp %logistic3A : vector<1x4096xf32>
    %logistic3A_53 = arith.constant 1.000000e+00 : f32
    %logistic3A_54 = vector.broadcast %logistic3A_53 : f32 to vector<1x4096xf32>
    %logistic3A_55 = arith.addf %logistic3A_54, %logistic3A_52 : vector<1x4096xf32>
    %logistic3A_56 = arith.divf %logistic3A_54, %logistic3A_55 : vector<1x4096xf32>
    %reshape3A = vector.shape_cast %logistic3A_56 : vector<1x4096xf32> to vector<1x1x4096xf32>
    %swap3A = arith.constant 0 : index
    %swap3A_57 = arith.constant 0 : index
    %swap3A_58 = arith.constant 0 : index
    %swap3A_59 = vector.load %arg13[%swap3A, %swap3A_57, %swap3A_58] : memref<1x1x4096xf32, #tpu.memory_space<vmem>>, vector<1x1x4096xf32>
    tpu.vector_store %arg13[%swap3A, %swap3A_57, %swap3A_58], %reshape3A {strides = array<i32>} : memref<1x1x4096xf32, #tpu.memory_space<vmem>>, vector<1x1x4096xf32>,
    return
  }
  func.func @transform_0(%arg0: i32) -> (i32, i32) {
    %c0_i32 = arith.constant 0 : i32
    %c0_i32_0 = arith.constant 0 : i32
    return %arg0, %c0_i32 : i32, i32
  }
  func.func @transform_1(%arg0: i32) -> (i32, i32) {
    %c0_i32 = arith.constant 0 : i32
    %c0_i32_0 = arith.constant 0 : i32
    return %arg0, %c0_i32 : i32, i32
  }
  func.func @transform_2(%arg0: i32) -> (i32, i32) {
    %c0_i32 = arith.constant 0 : i32
    %c0_i32_0 = arith.constant 0 : i32
    return %arg0, %c0_i32 : i32, i32
  }
  func.func @transform_3(%arg0: i32) -> (i32, i32) {
    %c0_i32 = arith.constant 0 : i32
    %c0_i32_0 = arith.constant 0 : i32
    %c0_i32_1 = arith.constant 0 : i32
    return %c0_i32, %c0_i32_0 : i32, i32
  }
  func.func @transform_4(%arg0: i32) -> (i32, i32) {
    %c0_i32 = arith.constant 0 : i32
    %c0_i32_0 = arith.constant 0 : i32
    %c0_i32_1 = arith.constant 0 : i32
    return %c0_i32, %c0_i32_0 : i32, i32
  }
  func.func @transform_5(%arg0: i32) -> (i32, i32) {
    %c0_i32 = arith.constant 0 : i32
    %c0_i32_0 = arith.constant 0 : i32
    %c0_i32_1 = arith.constant 0 : i32
    return %c0_i32, %c0_i32_0 : i32, i32
  }
  func.func @transform_6(%arg0: i32) -> (i32, i32) {
    %c0_i32 = arith.constant 0 : i32
    %c0_i32_0 = arith.constant 0 : i32
    %c0_i32_1 = arith.constant 0 : i32
    return %c0_i32, %c0_i32_0 : i32, i32
  }
  func.func @transform_7(%arg0: i32) -> (i32, i32) {
    %c0_i32 = arith.constant 0 : i32
    %c0_i32_0 = arith.constant 0 : i32
    %c0_i32_1 = arith.constant 0 : i32
    return %c0_i32, %c0_i32_0 : i32, i32
  }
  func.func @transform_8(%arg0: i32) -> (i32, i32) {
    %c0_i32 = arith.constant 0 : i32
    %c0_i32_0 = arith.constant 0 : i32
    %c0_i32_1 = arith.constant 0 : i32
    return %c0_i32, %c0_i32_0 : i32, i32
  }
  func.func @transform_9(%arg0: i32) -> (i32, i32) {
    %c0_i32 = arith.constant 0 : i32
    %c0_i32_0 = arith.constant 0 : i32
    %c0_i32_1 = arith.constant 0 : i32
    return %c0_i32, %c0_i32_0 : i32, i32
  }
  func.func @transform_10(%arg0: i32) -> i32 {
    %c0_i32 = arith.constant 0 : i32
    %c0_i32_0 = arith.constant 0 : i32
    return %c0_i32 : i32
  }
  func.func @transform_12(%arg0: i32) -> (i32, i32, i32) {
    %add3A = arith.constant 2 : i32
    %add3A_0 = arith.addi %arg0, %add3A : i32
    %c0_i32 = arith.constant 0 : i32
    %c0_i32_1 = arith.constant 0 : i32
    %c0_i32_2 = arith.constant 0 : i32
    return %add3A_0, %c0_i32, %c0_i32_1 : i32, i32, i32
  }
}

</mosaic_0001>

<sc_bundles>
// kernel: kernel.6.cloned.1.call-start
scs
__scs_entry_jumppad:
0x0: {  	(pc) =	sbr.rel $0x88, $3  }
0x1: {  	(tag) =	ssettag $0x0;
	lr =	simm.s32 $0x1  }
0x2: {  	[smem:$0x3F96] =	sst lr;
	_ =	strace $0xD0000000  }
0x3: {  	_ = 	snop  }
0x4: {  	_ = 	snop  }
0x5: {  	_ = 	snop  }
0x6: {  	_ = 	snop  }
0x7: {  	_ = 	snop  }
__scs_overlays_trampoline_lowered:
0x8: {  	[smem:$0x3FA5] =	sst s0  }
0x9: {  	[smem:$0x3FA6] =	sst s1  }
0xa: {  	[smem:$0x3FA7] =	sst s2  }
0xb: {  	[smem:$0x3FA8] =	sst s3  }
0xc: {  	[smem:$0x3FA9] =	sst s4  }
0xd: {  	[smem:$0x3FAA] =	sst s5  }
0xe: {  	[smem:$0x3FAB] =	sst s6  }
0xf: {  	[smem:$0x3FAC] =	sst s7  }
0x10: {  	[smem:$0x3FAD] =	sst s8  }
0x11: {  	[smem:$0x3FAE] =	sst s9;
	s0 =	simm.s32 @!p0 $0x0  }
0x12: {  	s1 =	sld [smem:$0x3F94];
	s0 =	simm.s32 @p0 $0x1  }
0x13: {  	[smem:$0x3FAF] =	sst s0;
	s0 =	simm.s32 @!p1 $0x0  }
0x14: {  	s2 =	sld [smem:$0x3F93];
	s0 =	simm.s32 @p1 $0x1  }
0x15: {  	[smem:$0x3FB0] =	sst s0;
	s0 =	simm.s32 @!p2 $0x0  }
0x16: {  	s3 =	sld [smem:$0x3FDB];
	s0 =	simm.s32 @p2 $0x1  }
0x17: {  	s4 =	simm.s32 $0x1BF5;
	[smem:$0x3FB2] =	sst s0  }
0x18: {  	s0 =	sld [smem:$0x3F95];
	_ =	swait.ge [sflag:s4], $0x0  }
0x19: {  	s7 =	sld [smem:$0x3F96]  }
0x1a: {  	s8 =	sadd.s32 $0xFFFFE003, lr  }
0x1b: {  	s9 =	sadd.s32 $0xFFFFFEF7, lr;
	s5 =	simm.s32 $0xFFFFFFFF;
	p2 =	slt.u32 s8, $0xFFFFF086  }
0x1c: {  	p1 =	slt.u32 s9, $0xF7A;
	s5 =	simm.s32 @!p2 $0x0  }
0x1d: {  	s5 =	simm.s32 @p1 $0x1;
	p0 =	seq.s32 s7, s2  }
0x1e: {  	s7 =	smul.u32 @!p0 $0xF7A, s2;
	p2 =	seq.s32 @!p0 s5, $0x0  }
0x1f: {  	s9 =	smul.u32 $0xF7A, s1;
	s8 =	simm.s32 @!p0 $0x1BF5;
	p2 =	por !p2, p0  }
0x20: {  	[sflag:s8] =	ssyncset.s32 @!p0 $0xFFFFF086;
	s6 =	sadd.s32 @!p0 s3, s7;
	s7 =	simm.s32 @!p0 $0x108  }
0x21: {  	s3 =	sadd.s32 s3, s9;
	s6 =	sadd.s32 @!p0 $0x88, s6;
	s7 =	simm.s32 @p2 $0x1082  }
0x22: {  	[simem:s7], [sflag:s8] =	dma.local @!p0 [hbm:s6], $0xF7A  }
0x23: {  	s9 =	sor.u32 $0xD0000000, s2;
	s6 =	simm.s32 $0x108;
	_ =	swait.ge @!p0 [sflag:s8], $0x0  }
0x24: {  	s3 =	sadd.s32 $0x88, s3;
	s6 =	simm.s32 @!p1 $0x1082;
	[sflag:s4] =	ssyncset.s32 $0xFFFFF086  }
0x25: {  	[simem:s6], [sflag:s4] =	dma.local [hbm:s3], $0xF7A  }
0x26: {  	[smem:$0x3F96] =	sst s1;
	(tag) =	ssettag s2;
	_ =	strace s9  }
0x27: {  	s1 =	sld [smem:$0x3FA6]  }
0x28: {  	s2 =	sld [smem:$0x3FA7]  }
0x29: {  	s4 =	sld [smem:$0x3FA9]  }
0x2a: {  	p0 =	seq.s32 s5, $0x0;
	s5 =	sld [smem:$0x3FAA]  }
0x2b: {  	s6 =	sld [smem:$0x3FAB]  }
0x2c: {  	s7 =	sld [smem:$0x3FAC]  }
0x2d: {  	s3 =	simm.s32 $0x108;
	s8 =	sld [smem:$0x3FAD]  }
0x2e: {  	s3 =	simm.s32 @!p0 $0x1082;
	s9 =	sld [smem:$0x3FAE]  }
0x2f: {  	lr =	sadd.s32 s0, s3;
	s0 =	sld [smem:$0x3FA5]  }
0x30: {  	s3 =	sld [smem:$0x3FA8]  }
0x31: {  	[smem:$0x3FB1] =	sst s10  }
0x32: {  	s10 =	sld [smem:$0x3FAF];
	_ =	sdelay $0x3  }
0x33: {  	p0 =	seq.s32 s10, $0x1;
	s10 =	sld [smem:$0x3FB1];
	_ =	sdelay $0x3  }
0x34: {  	[smem:$0x3FB1] =	sst s10  }
0x35: {  	s10 =	sld [smem:$0x3FB0];
	_ =	sdelay $0x3  }
0x36: {  	p1 =	seq.s32 s10, $0x1;
	s10 =	sld [smem:$0x3FB1];
	_ =	sdelay $0x3  }
0x37: {  	[smem:$0x3FB1] =	sst s10  }
0x38: {  	s10 =	sld [smem:$0x3FB2]  }
0x39: {  	_ = 	snop;
	(pc) =	sbr.ind lr, $3  }
0x3a: {  	_ = 	snop  }
0x3b: {  	_ = 	snop  }
0x3c: {  	p2 =	seq.s32 s10, $0x1;
	s10 =	sld [smem:$0x3FB1]  }
0x3d: {  	_ =	shalt  }
0x3e: {  	_ =	shalt  }
0x3f: {  	_ =	shalt  }
0x40: {  	_ =	shalt  }
0x41: {  	_ =	shalt  }
0x42: {  	_ =	shalt  }
0x43: {  	_ =	shalt  }
0x44: {  	_ =	shalt  }
0x45: {  	_ =	shalt  }
0x46: {  	_ =	shalt  }
0x47: {  	_ =	shalt  }
0x48: {  	_ =	shalt  }
0x49: {  	_ =	shalt  }
0x4a: {  	_ =	shalt  }
0x4b: {  	_ =	shalt  }
0x4c: {  	_ =	shalt  }
0x4d: {  	_ =	shalt  }
0x4e: {  	_ =	shalt  }
0x4f: {  	_ =	shalt  }
0x50: {  	_ =	shalt  }
0x51: {  	_ =	shalt  }
0x52: {  	_ =	shalt  }
0x53: {  	_ =	shalt  }
0x54: {  	_ =	shalt  }
0x55: {  	_ =	shalt  }
0x56: {  	_ =	shalt  }
0x57: {  	_ =	shalt  }
0x58: {  	_ =	shalt  }
0x59: {  	_ =	shalt  }
0x5a: {  	_ =	shalt  }
0x5b: {  	_ =	shalt  }
0x5c: {  	_ =	shalt  }
0x5d: {  	_ =	shalt  }
0x5e: {  	_ =	shalt  }
0x5f: {  	_ =	shalt  }
0x60: {  	_ =	shalt  }
0x61: {  	_ =	shalt  }
0x62: {  	_ =	shalt  }
0x63: {  	_ =	shalt  }
0x64: {  	_ =	shalt  }
0x65: {  	_ =	shalt  }
0x66: {  	_ =	shalt  }
0x67: {  	_ =	shalt  }
0x68: {  	_ =	shalt  }
0x69: {  	_ =	shalt  }
0x6a: {  	_ =	shalt  }
0x6b: {  	_ =	shalt  }
0x6c: {  	_ =	shalt  }
0x6d: {  	_ =	shalt  }
0x6e: {  	_ =	shalt  }
0x6f: {  	_ =	shalt  }
0x70: {  	_ =	shalt  }
0x71: {  	_ =	shalt  }
0x72: {  	_ =	shalt  }
0x73: {  	_ =	shalt  }
0x74: {  	_ =	shalt  }
0x75: {  	_ =	shalt  }
0x76: {  	_ =	shalt  }
0x77: {  	_ =	shalt  }
0x78: {  	_ =	shalt  }
0x79: {  	_ =	shalt  }
0x7a: {  	_ =	shalt  }
0x7b: {  	_ =	shalt  }
0x7c: {  	_ =	shalt  }
0x7d: {  	_ =	shalt  }
0x7e: {  	_ =	shalt  }
0x7f: {  	_ =	shalt  }
0x80: {  	_ =	shalt  }
0x81: {  	_ =	shalt  }
0x82: {  	_ =	shalt  }
0x83: {  	_ =	shalt  }
0x84: {  	_ =	shalt  }
0x85: {  	_ =	shalt  }
0x86: {  	_ =	shalt  }
0x87: {  	_ =	shalt  }
.Lfunc_end0:
.L_simem_size_0:
called_computation_lowered:
.L_overlay_start_0:
0x88: {  	s2 =	sld [smem:$0x3FD9]  }
0x89: {  	s3 =	sld [smem:$0x3FFE];
	_ =	sdelay $0x1  }
0x8a: {  	s1 =	srdreg.scid  }
0x8b: {  	s0 =	sand.u32 $0x1, s1  }
0x8c: {  	s17 =	sshll.u32 s0, $0xA;
	s2 =	sadd.s32 s3, s2  }
0x8d: {  	s2 =	sadd.s32 s2, s17  }
0x8e: {  	[smem:$0x3FBD] =	sst s2  }
0x8f: {  	_ = 	snop  }
0x90: {  	s2 =	sld [smem:$0x3FC6]  }
0x91: {  	s18 =	sld [smem:$0x3FC5]  }
0x92: {  	s4 =	sld [smem:$0x3FD0];
	(tm) =	ssettm $0x1  }
0x93: {  	s5 =	sld [smem:$0x3FFB];
	_ =	sdelay $0x3  }
0x94: {  	_ =	strace s5  }
0x95: {  	s5 =	sld [smem:$0x3FFC];
	_ =	sdelay $0x3  }
0x96: {  	_ =	strace s5  }
0x97: {  	s5 =	sld [smem:$0x3FFD];
	_ =	sdelay $0x3  }
0x98: {  	_ =	strace s5  }
0x99: {  	_ =	strace $0x8FFFFFFF  }
0x9a: {  	s19 =	sld [smem:$0x3FDB];
	_ =	sdelay $0x1  }
0x9b: {  	s6 =	simm.s32 $_scs_section_size  }
0x9c: {  	s7 =	simm.s32 $_size__tile_overlayer_lowered;
	s8 =	simm.s32 $_tile_overlayer_lowered  }
0x9d: {  	s22 =	simm.s32 $0x1BFF;
	s21 =	sshll.u32 s8, $0x1;
	s5 =	sadd.s32 s6, s19  }
0x9e: {  	s9 =	simm.s32 $0x0;
	s20 =	sshll.u32 s7, $0x1;
	s7 =	sadd.s32 s21, s5  }
0x9f: {  	[timem:s9], [sflag:s22] =	dma.local [hbm:s7], s20  }
0xa0: {  	_ =	swait.ge [sflag:s22], s20  }
0xa1: {  	s6 =	ssub.s32 $0x0, s20;
	[sflag:s22] =	ssyncset.done $0x0  }
0xa2: {  	[sflag:s22] =	ssyncadd.s32 s6;
	_ =	sdelay $0x1  }
0xa3: {  	s23 =	simm.s32 $0x1B8B  }
0xa4: {  	_ =	swait.ge [sflag:s23], $0x1  }
0xa5: {  	[sflag:s23] =	ssyncset.done $0x0  }
0xa6: {  	s25 =	simm.s32 $0x1B8E;
	s24 =	sld [smem:$0x3FFE];
	[sflag:s23] =	ssyncadd.s32 $0xFFFFFFFF  }
0xa7: {  	s26 =	simm.s32 $execute0_lowered;
	[smem:$0x3FD2] =	sst s25  }
0xa8: {  	s7 =	sshll.u32 s26, $0x1;
	_ =	strace $0x80000046;
	[dreg:$0x1] =	wrdreg $0xFFFFFFFF  }
0xa9: {  	s28 =	simm.s32 $_size_execute0_lowered;
	s5 =	sadd.s32 s5, s7;
	[dreg:$0x0] =	wrdreg $0x0  }
0xaa: {  	s7 =	sshll.u32 s28, $0x1;
	[dreg:$0x2] =	wrdreg s5  }
0xab: {  	[dreg:$0x3] =	wrdreg s7  }
0xac: {  	[dreg:$0x4] =	wrdreg $0xC0  }
0xad: {  	_ =	task [dreg:s9], $0x5FFFF  }
0xae: {  	[dreg:$0x1] =	wrdreg $0xFFFFFFFF  }
0xaf: {  	[dreg:$0x0] =	wrdreg $0x60  }
0xb0: {  	[dreg:$0x2] =	wrdreg s4  }
0xb1: {  	[dreg:$0x3] =	wrdreg s24  }
0xb2: {  	[dreg:$0x4] =	wrdreg s2  }
0xb3: {  	[dreg:$0x5] =	wrdreg s18  }
0xb4: {  	[dreg:$0x6] =	wrdreg $0x9  }
0xb5: {  	_ =	task.clear_ibuf [dreg:s9], $0x7FFFF;
	_ =	strace $0x90000046  }
0xb6: {  	s29 =	simm.s32 $0x9;
	_ =	strace $0x80000048  }
0xb7: {  	_ =	swait.ge [sflag:s29], $0x1  }
0xb8: {  	[sflag:s29] =	ssyncadd.s32 $0xFFFFFFFF  }
0xb9: {  	_ =	strace $0x90000048  }
0xba: {  	_ =	sfence  }
0xbb: {  	s30 =	sld [smem:$0x0];
	_ =	sdelay $0x2  }
0xbc: {  	s31 =	sshll.u32 s1, $0xD;
	s1 =	sshrl.u32 s1, $0x2  }
0xbd: {  	s3 =	sand.u32 $0x4000, s31;
	s1 =	sadd.s32 s1, s30  }
0xbe: {  	s0 =	sor.u32 s3, s0;
	s1 =	sshll.u32 s1, $0x11  }
0xbf: {  	s0 =	sor.u32 s1, s0  }
0xc0: {  	s0 =	sadd.s32 $0x8F2B, s0  }
0xc1: {  	[sflag:s0] =	ssyncadd.remote.s32 $0x1  }
0xc2: {  	_ =	sfence.sel $0xFFFF  }
0xc3: {  	[dreg:$0x0] =	wrdreg $0xFFFFFFFF;
	(pc) =	sbr.abs _section_cstart, $3  }
0xc4: {  	[dreg:$0x1] =	wrdreg $0xFFFFFFFF  }
0xc5: {  	_ =	task.clear_ibuf [dreg:s9], $0x2FFFF;
	_ =	strace $0x9FFFFFFF  }
0xc6: {  	(tm) =	ssettm $0x7FFFFFFF  }
0xc7: {  	_ =	shalt  }
tec
execute0_lowered:
.L_overlay_start_1:
0x0: {  	(tag) =	ssettag $0x1  }
0x1: {  	s5 =	rddreg [dreg:$0x0]  }
0x2: {  	s17 =	rddreg [dreg:$0x1];
	s1 =	srdreg.scid  }
0x3: {  	s2 =	rddreg [dreg:$0x2];
	s0 =	stileid.u32;
	s23 =	sand.u32 $0x1, s1  }
0x4: {  	s3 =	rddreg [dreg:$0x3];
	s6 =	sshll.u32 s0, $0x9;
	s7 =	sshll.u32 s23, $0x8  }
0x5: {  	s4 =	simm.s32 $0x0;
	s1 =	rddreg [dreg:$0x4];
	s18 =	sor.u32 s7, s6  }
0x6: {  	[smem:$0x7FF] =	sst s4;
	s6 =	sshrl.u32 s18, $0x3  }
0x7: {  	_ =	strace $0x80000047;
	s8 =	sadd.s32 s6, s17;
	s5 =	sadd.s32 s5, s6  }
0x8: {  	[tilespmem:s4], [sflag:$0x4] =	stream.linear.gather [hbm4b:s5+s4], $0x100, $0x38;
	[tilespmem:$0x18300] =	vst v63  }
0x9: {  	s7 =	simm.s32 $0x100;
	s6 =	sadd.s32 $0x3400, s8  }
0xa: {  	[tilespmem:s7], [sflag:$0x5] =	stream.linear.gather [hbm4b:s6+s4], $0x100, $0x38;
	[tilespmem:$0x18300] =	vst v63  }
0xb: {  	s9 =	simm.s32 $0x200;
	s10 =	simm.s32 $0x4;
	s8 =	sadd.s32 $0x3000, s8  }
0xc: {  	[tilespmem:s9], [sflag:$0x6] =	stream.linear.gather [hbm4b:s8+s4], $0x100, $0x38;
	[tilespmem:$0x18300] =	vst v63  }
0xd: {  	_ =	swait.ge [sflag:s10], $0x100  }
0xe: {  	[sflag:s10] =	ssyncset.done $0x0  }
0xf: {  	s11 =	simm.s32 $0x300;
	s12 =	simm.s32 $0x5;
	[sflag:s10] =	ssyncadd.s32 $0xFFFFFF00  }
0x10: {  	[tilespmem:s11], [sflag:$0x1] =	stream.indirect.gather [hbm4b:s2+s7], $0x80, s4, s7, $0xb8;
	[tilespmem:$0x18300] =	vst v63  }
0x11: {  	_ =	swait.ge [sflag:s12], $0x100  }
0x12: {  	[sflag:s12] =	ssyncset.done $0x0  }
0x13: {  	s13 =	simm.s32 $0x8300;
	s14 =	simm.s32 $0x6;
	[sflag:s12] =	ssyncadd.s32 $0xFFFFFF00  }
0x14: {  	[tilespmem:s13], [sflag:$0x2] =	stream.indirect.gather [hbm4b:s3+s7], $0x80, s7, s7, $0xb8;
	[tilespmem:$0x18300] =	vst v63  }
0x15: {  	_ =	swait.ge [sflag:s14], $0x100  }
0x16: {  	[sflag:s14] =	ssyncset.done $0x0  }
0x17: {  	s15 =	simm.s32 $0x10300;
	s16 =	simm.s32 $0x1;
	[sflag:s14] =	ssyncadd.s32 $0xFFFFFF00  }
0x18: {  	[tilespmem:s15], [sflag:$0x3] =	stream.indirect.gather [hbm4b:s2+s7], $0x80, s9, s7, $0xb8;
	[tilespmem:$0x18300] =	vst v63  }
0x19: {  	s18 =	sshll.u32 s18, $0x4;
	_ =	swait.ge [sflag:s16], $0x8000  }
0x1a: {  	s21 =	sadd.s32 s18, s17;
	[sflag:s16] =	ssyncset.done $0x0  }
0x1b: {  	s18 =	simm.s32 $0x2;
	s17 =	sadd.s32 $0x4000, s21;
	[sflag:s16] =	ssyncadd.s32 $0xFFFF8000  }
0x1c: {  	[hbm4b:s17+s4] =	stream.linear.scatter [tilespmem:s11], [sflag:$0x7], $0x8000, $0x38;
	[tilespmem:$0x18300] =	vst v63  }
0x1d: {  	_ =	swait.ge [sflag:s18], $0x8000  }
0x1e: {  	[sflag:s18] =	ssyncset.done $0x0  }
0x1f: {  	s20 =	simm.s32 $0x3;
	s19 =	sadd.s32 $0x24000, s21;
	[sflag:s18] =	ssyncadd.s32 $0xFFFF8000  }
0x20: {  	[hbm4b:s19+s4] =	stream.linear.scatter [tilespmem:s13], [sflag:$0x8], $0x8000, $0x38;
	[tilespmem:$0x18300] =	vst v63  }
0x21: {  	_ =	swait.ge [sflag:s20], $0x8000  }
0x22: {  	s22 =	simm.s32 $0x7;
	s24 =	ssub.s32 $0x2, s23;
	[sflag:s20] =	ssyncset.done $0x0  }
0x23: {  	s25 =	sshrl.u32 s24, $0x1;
	s21 =	sadd.s32 $0x44000, s21;
	[sflag:s20] =	ssyncadd.s32 $0xFFFF8000  }
0x24: {  	[hbm4b:s21+s4] =	stream.linear.scatter [tilespmem:s15], [sflag:$0x9], $0x8000, $0x38;
	[tilespmem:$0x18300] =	vst v63  }
0x25: {  	s24 =	ssub.s32 s24, s25;
	_ =	swait.ge [sflag:s22], $0x8000  }
0x26: {  	s25 =	smax.u32 s24, $0x1;
	[sflag:s22] =	ssyncset.done $0x0  }
0x27: {  	s23 =	simm.s32 $0x8;
	p0 =	sne.s32 s25, $0x1;
	[sflag:s22] =	ssyncadd.s32 $0xFFFF8000  }
.Ltmp0:
0x28: {  	_ =	swait.ge [sflag:s23], $0x8000;
	(pc) =	sbr.rel @!p0 .LBB2_2-.Ltmp0, $4  }
0x29: {  	[sflag:s23] =	ssyncset.done $0x0  }
0x2a: {  	s24 =	simm.s32 $0x9;
	[sflag:s23] =	ssyncadd.s32 $0xFFFF8000  }
0x2b: {  	_ =	swait.ge [sflag:s24], $0x8000  }
0x2c: {  	s25 =	sadd.s32 $0xFFFFFFFF, s25;
	[sflag:s24] =	ssyncset.done $0x0  }
.LBB2_1:
0x2d: {  	p0 =	sne.s32 s25, $0x1;
	s25 =	sadd.s32 $0xFFFFFFFF, s25;
	[sflag:s24] =	ssyncadd.s32 $0xFFFF8000  }
0x2e: {  	[tilespmem:s4], [sflag:$0x4] =	stream.linear.gather [hbm4b:s5+s4], $0x100, $0x38;
	[tilespmem:$0x18300] =	vst v63  }
0x2f: {  	_ = 	snop  }
0x30: {  	[tilespmem:s7], [sflag:$0x5] =	stream.linear.gather [hbm4b:s6+s4], $0x100, $0x38;
	[tilespmem:$0x18300] =	vst v63  }
0x31: {  	_ = 	snop  }
0x32: {  	[tilespmem:s9], [sflag:$0x6] =	stream.linear.gather [hbm4b:s8+s4], $0x100, $0x38;
	[tilespmem:$0x18300] =	vst v63  }
0x33: {  	_ =	swait.ge [sflag:s10], $0x100  }
0x34: {  	[sflag:s10] =	ssyncset.done $0x0  }
0x35: {  	[sflag:s10] =	ssyncadd.s32 $0xFFFFFF00  }
0x36: {  	[tilespmem:s11], [sflag:$0x1] =	stream.indirect.gather [hbm4b:s2+s7], $0x80, s4, s7, $0xb8;
	[tilespmem:$0x18300] =	vst v63  }
0x37: {  	_ =	swait.ge [sflag:s12], $0x100  }
0x38: {  	[sflag:s12] =	ssyncset.done $0x0  }
0x39: {  	[sflag:s12] =	ssyncadd.s32 $0xFFFFFF00  }
0x3a: {  	[tilespmem:s13], [sflag:$0x2] =	stream.indirect.gather [hbm4b:s3+s7], $0x80, s7, s7, $0xb8;
	[tilespmem:$0x18300] =	vst v63  }
0x3b: {  	_ =	swait.ge [sflag:s14], $0x100  }
0x3c: {  	[sflag:s14] =	ssyncset.done $0x0  }
0x3d: {  	[sflag:s14] =	ssyncadd.s32 $0xFFFFFF00  }
0x3e: {  	[tilespmem:s15], [sflag:$0x3] =	stream.indirect.gather [hbm4b:s2+s7], $0x80, s9, s7, $0xb8;
	[tilespmem:$0x18300] =	vst v63  }
0x3f: {  	_ =	swait.ge [sflag:s16], $0x8000  }
0x40: {  	[sflag:s16] =	ssyncset.done $0x0  }
0x41: {  	[sflag:s16] =	ssyncadd.s32 $0xFFFF8000  }
0x42: {  	[hbm4b:s17+s4] =	stream.linear.scatter [tilespmem:s11], [sflag:$0x7], $0x8000, $0x38;
	[tilespmem:$0x18300] =	vst v63  }
0x43: {  	_ =	swait.ge [sflag:s18], $0x8000  }
0x44: {  	[sflag:s18] =	ssyncset.done $0x0  }
0x45: {  	[sflag:s18] =	ssyncadd.s32 $0xFFFF8000  }
0x46: {  	[hbm4b:s19+s4] =	stream.linear.scatter [tilespmem:s13], [sflag:$0x8], $0x8000, $0x38;
	[tilespmem:$0x18300] =	vst v63  }
0x47: {  	_ =	swait.ge [sflag:s20], $0x8000  }
0x48: {  	[sflag:s20] =	ssyncset.done $0x0  }
0x49: {  	[sflag:s20] =	ssyncadd.s32 $0xFFFF8000  }
0x4a: {  	[hbm4b:s21+s4] =	stream.linear.scatter [tilespmem:s15], [sflag:$0x9], $0x8000, $0x38;
	[tilespmem:$0x18300] =	vst v63  }
0x4b: {  	_ =	swait.ge [sflag:s22], $0x8000  }
0x4c: {  	[sflag:s22] =	ssyncset.done $0x0  }
0x4d: {  	[sflag:s22] =	ssyncadd.s32 $0xFFFF8000  }
.Ltmp1:
0x4e: {  	_ =	swait.ge [sflag:s23], $0x8000;
	(pc) =	sbr.rel @p0 .LBB2_1-.Ltmp1, $4  }
0x4f: {  	[sflag:s23] =	ssyncset.done $0x0  }
0x50: {  	[sflag:s23] =	ssyncadd.s32 $0xFFFF8000  }
0x51: {  	_ =	swait.ge [sflag:s24], $0x8000  }
0x52: {  	[sflag:s24] =	ssyncset.done $0x0  }
.LBB2_2:
0x53: {  	[sflag:s24] =	ssyncadd.s32 $0xFFFF8000  }
0x54: {  	_ =	sfence.sel $0x180000  }
0x55: {  	[bflag:$0x0] =	sbarrier.arrive $0xFFFF  }
0x56: {  	p0 =	sne.s32 s0, $0x0;
	_ =	strace $0x90000047  }
0x57: {  	s0 =	sadd.s32 @!p0 $0x100000, s1;
	[bflag:$0x2] =	sbarrier.arrive $0xFFFF  }
0x58: {  	[sflag:s0] =	ssyncadd.tile.s32 @!p0 $0x1;
	_ =	shalt  }
.Lfunc_end2:
_tile_overlayer_lowered:
.L_overlay_start_2:
0x59: {  	(tag) =	ssettag $0x2  }
0x5a: {  	s0 =	rddreg [dreg:$0x0];
	s2 =	stileid.u32  }
0x5b: {  	s1 =	rddreg [dreg:$0x1];
	p0 =	sne.s32 s2, $0x0  }
0x5c: {  	s3 =	rddreg [dreg:$0x2];
	[bflag:$0x3] =	sbarrier.arrive $0xFFFF;
	s2 =	simm.s32 @!p0 $0x1C0A  }
0x5d: {  	[timem:s3], [sflag:s2] =	dma.local @!p0 [hbm:s0], s1  }
0x5e: {  	s0 =	simm.s32 @!p0 $0xA  }
0x5f: {  	_ =	swait.ge @!p0 [sflag:s0], s1  }
0x60: {  	s1 =	ssub.s32 @!p0 $0x0, s1;
	[sflag:s0] =	ssyncset.done @!p0 $0x0  }
0x61: {  	[sflag:s0] =	ssyncadd.s32 @!p0 s1  }
0x62: {  	[bflag:$0x3] =	sbarrier.arrive $0xFFFF  }
0x63: {  	_ =	shalt  }

// kernel: kernel.9.cloned.1.call-start
scs
__scs_entry_jumppad:
0x0: {  	(pc) =	sbr.rel $0x88, $3  }
0x1: {  	(tag) =	ssettag $0x0;
	lr =	simm.s32 $0x1  }
0x2: {  	[smem:$0x3F96] =	sst lr;
	_ =	strace $0xD0000000  }
0x3: {  	_ = 	snop  }
0x4: {  	_ = 	snop  }
0x5: {  	_ = 	snop  }
0x6: {  	_ = 	snop  }
0x7: {  	_ = 	snop  }
__scs_overlays_trampoline_lowered:
0x8: {  	[smem:$0x3FA5] =	sst s0  }
0x9: {  	[smem:$0x3FA6] =	sst s1  }
0xa: {  	[smem:$0x3FA7] =	sst s2  }
0xb: {  	[smem:$0x3FA8] =	sst s3  }
0xc: {  	[smem:$0x3FA9] =	sst s4  }
0xd: {  	[smem:$0x3FAA] =	sst s5  }
0xe: {  	[smem:$0x3FAB] =	sst s6  }
0xf: {  	[smem:$0x3FAC] =	sst s7  }
0x10: {  	[smem:$0x3FAD] =	sst s8  }
0x11: {  	[smem:$0x3FAE] =	sst s9;
	s0 =	simm.s32 @!p0 $0x0  }
0x12: {  	s1 =	sld [smem:$0x3F94];
	s0 =	simm.s32 @p0 $0x1  }
0x13: {  	[smem:$0x3FAF] =	sst s0;
	s0 =	simm.s32 @!p1 $0x0  }
0x14: {  	s2 =	sld [smem:$0x3F93];
	s0 =	simm.s32 @p1 $0x1  }
0x15: {  	[smem:$0x3FB0] =	sst s0;
	s0 =	simm.s32 @!p2 $0x0  }
0x16: {  	s3 =	sld [smem:$0x3FDB];
	s0 =	simm.s32 @p2 $0x1  }
0x17: {  	s4 =	simm.s32 $0x1BF5;
	[smem:$0x3FB2] =	sst s0  }
0x18: {  	s0 =	sld [smem:$0x3F95];
	_ =	swait.ge [sflag:s4], $0x0  }
0x19: {  	s7 =	sld [smem:$0x3F96]  }
0x1a: {  	s8 =	sadd.s32 $0xFFFFE003, lr  }
0x1b: {  	s9 =	sadd.s32 $0xFFFFFEF7, lr;
	s5 =	simm.s32 $0xFFFFFFFF;
	p2 =	slt.u32 s8, $0xFFFFF086  }
0x1c: {  	p1 =	slt.u32 s9, $0xF7A;
	s5 =	simm.s32 @!p2 $0x0  }
0x1d: {  	s5 =	simm.s32 @p1 $0x1;
	p0 =	seq.s32 s7, s2  }
0x1e: {  	s7 =	smul.u32 @!p0 $0xF7A, s2;
	p2 =	seq.s32 @!p0 s5, $0x0  }
0x1f: {  	s9 =	smul.u32 $0xF7A, s1;
	s8 =	simm.s32 @!p0 $0x1BF5;
	p2 =	por !p2, p0  }
0x20: {  	[sflag:s8] =	ssyncset.s32 @!p0 $0xFFFFF086;
	s6 =	sadd.s32 @!p0 s3, s7;
	s7 =	simm.s32 @!p0 $0x108  }
0x21: {  	s3 =	sadd.s32 s3, s9;
	s6 =	sadd.s32 @!p0 $0x88, s6;
	s7 =	simm.s32 @p2 $0x1082  }
0x22: {  	[simem:s7], [sflag:s8] =	dma.local @!p0 [hbm:s6], $0xF7A  }
0x23: {  	s9 =	sor.u32 $0xD0000000, s2;
	s6 =	simm.s32 $0x108;
	_ =	swait.ge @!p0 [sflag:s8], $0x0  }
0x24: {  	s3 =	sadd.s32 $0x88, s3;
	s6 =	simm.s32 @!p1 $0x1082;
	[sflag:s4] =	ssyncset.s32 $0xFFFFF086  }
0x25: {  	[simem:s6], [sflag:s4] =	dma.local [hbm:s3], $0xF7A  }
0x26: {  	[smem:$0x3F96] =	sst s1;
	(tag) =	ssettag s2;
	_ =	strace s9  }
0x27: {  	s1 =	sld [smem:$0x3FA6]  }
0x28: {  	s2 =	sld [smem:$0x3FA7]  }
0x29: {  	s4 =	sld [smem:$0x3FA9]  }
0x2a: {  	p0 =	seq.s32 s5, $0x0;
	s5 =	sld [smem:$0x3FAA]  }
0x2b: {  	s6 =	sld [smem:$0x3FAB]  }
0x2c: {  	s7 =	sld [smem:$0x3FAC]  }
0x2d: {  	s3 =	simm.s32 $0x108;
	s8 =	sld [smem:$0x3FAD]  }
0x2e: {  	s3 =	simm.s32 @!p0 $0x1082;
	s9 =	sld [smem:$0x3FAE]  }
0x2f: {  	lr =	sadd.s32 s0, s3;
	s0 =	sld [smem:$0x3FA5]  }
0x30: {  	s3 =	sld [smem:$0x3FA8]  }
0x31: {  	[smem:$0x3FB1] =	sst s10  }
0x32: {  	s10 =	sld [smem:$0x3FAF];
	_ =	sdelay $0x3  }
0x33: {  	p0 =	seq.s32 s10, $0x1;
	s10 =	sld [smem:$0x3FB1];
	_ =	sdelay $0x3  }
0x34: {  	[smem:$0x3FB1] =	sst s10  }
0x35: {  	s10 =	sld [smem:$0x3FB0];
	_ =	sdelay $0x3  }
0x36: {  	p1 =	seq.s32 s10, $0x1;
	s10 =	sld [smem:$0x3FB1];
	_ =	sdelay $0x3  }
0x37: {  	[smem:$0x3FB1] =	sst s10  }
0x38: {  	s10 =	sld [smem:$0x3FB2]  }
0x39: {  	_ = 	snop;
	(pc) =	sbr.ind lr, $3  }
0x3a: {  	_ = 	snop  }
0x3b: {  	_ = 	snop  }
0x3c: {  	p2 =	seq.s32 s10, $0x1;
	s10 =	sld [smem:$0x3FB1]  }
0x3d: {  	_ =	shalt  }
0x3e: {  	_ =	shalt  }
0x3f: {  	_ =	shalt  }
0x40: {  	_ =	shalt  }
0x41: {  	_ =	shalt  }
0x42: {  	_ =	shalt  }
0x43: {  	_ =	shalt  }
0x44: {  	_ =	shalt  }
0x45: {  	_ =	shalt  }
0x46: {  	_ =	shalt  }
0x47: {  	_ =	shalt  }
0x48: {  	_ =	shalt  }
0x49: {  	_ =	shalt  }
0x4a: {  	_ =	shalt  }
0x4b: {  	_ =	shalt  }
0x4c: {  	_ =	shalt  }
0x4d: {  	_ =	shalt  }
0x4e: {  	_ =	shalt  }
0x4f: {  	_ =	shalt  }
0x50: {  	_ =	shalt  }
0x51: {  	_ =	shalt  }
0x52: {  	_ =	shalt  }
0x53: {  	_ =	shalt  }
0x54: {  	_ =	shalt  }
0x55: {  	_ =	shalt  }
0x56: {  	_ =	shalt  }
0x57: {  	_ =	shalt  }
0x58: {  	_ =	shalt  }
0x59: {  	_ =	shalt  }
0x5a: {  	_ =	shalt  }
0x5b: {  	_ =	shalt  }
0x5c: {  	_ =	shalt  }
0x5d: {  	_ =	shalt  }
0x5e: {  	_ =	shalt  }
0x5f: {  	_ =	shalt  }
0x60: {  	_ =	shalt  }
0x61: {  	_ =	shalt  }
0x62: {  	_ =	shalt  }
0x63: {  	_ =	shalt  }
0x64: {  	_ =	shalt  }
0x65: {  	_ =	shalt  }
0x66: {  	_ =	shalt  }
0x67: {  	_ =	shalt  }
0x68: {  	_ =	shalt  }
0x69: {  	_ =	shalt  }
0x6a: {  	_ =	shalt  }
0x6b: {  	_ =	shalt  }
0x6c: {  	_ =	shalt  }
0x6d: {  	_ =	shalt  }
0x6e: {  	_ =	shalt  }
0x6f: {  	_ =	shalt  }
0x70: {  	_ =	shalt  }
0x71: {  	_ =	shalt  }
0x72: {  	_ =	shalt  }
0x73: {  	_ =	shalt  }
0x74: {  	_ =	shalt  }
0x75: {  	_ =	shalt  }
0x76: {  	_ =	shalt  }
0x77: {  	_ =	shalt  }
0x78: {  	_ =	shalt  }
0x79: {  	_ =	shalt  }
0x7a: {  	_ =	shalt  }
0x7b: {  	_ =	shalt  }
0x7c: {  	_ =	shalt  }
0x7d: {  	_ =	shalt  }
0x7e: {  	_ =	shalt  }
0x7f: {  	_ =	shalt  }
0x80: {  	_ =	shalt  }
0x81: {  	_ =	shalt  }
0x82: {  	_ =	shalt  }
0x83: {  	_ =	shalt  }
0x84: {  	_ =	shalt  }
0x85: {  	_ =	shalt  }
0x86: {  	_ =	shalt  }
0x87: {  	_ =	shalt  }
.Lfunc_end0:
.L_simem_size_0:
called_computation.1_lowered:
.L_overlay_start_0:
0x88: {  	s2 =	sld [smem:$0x3FD9]  }
0x89: {  	s3 =	sld [smem:$0x3FFE];
	_ =	sdelay $0x1  }
0x8a: {  	s1 =	srdreg.scid  }
0x8b: {  	s0 =	sand.u32 $0x1, s1  }
0x8c: {  	s17 =	sshll.u32 s0, $0xA;
	s2 =	sadd.s32 s3, s2  }
0x8d: {  	s2 =	sadd.s32 s2, s17  }
0x8e: {  	[smem:$0x3FBD] =	sst s2  }
0x8f: {  	_ = 	snop  }
0x90: {  	s18 =	sld [smem:$0x3FC6]  }
0x91: {  	s4 =	sld [smem:$0x3FC5];
	(tm) =	ssettm $0x1  }
0x92: {  	s19 =	sld [smem:$0x3FFB];
	_ =	sdelay $0x3  }
0x93: {  	_ =	strace s19  }
0x94: {  	s2 =	sld [smem:$0x3FFC];
	_ =	sdelay $0x3  }
0x95: {  	_ =	strace s2  }
0x96: {  	s2 =	sld [smem:$0x3FFD];
	_ =	sdelay $0x3  }
0x97: {  	_ =	strace s2  }
0x98: {  	_ =	strace $0x8FFFFFFF  }
0x99: {  	s20 =	sld [smem:$0x3FDB];
	_ =	sdelay $0x1  }
0x9a: {  	s5 =	simm.s32 $_scs_section_size  }
0x9b: {  	s6 =	simm.s32 $_size__tile_overlayer_lowered;
	s7 =	simm.s32 $_tile_overlayer_lowered  }
0x9c: {  	s8 =	simm.s32 $0x1BFF;
	s21 =	sshll.u32 s7, $0x1;
	s5 =	sadd.s32 s5, s20  }
0x9d: {  	s22 =	simm.s32 $0x0;
	s6 =	sshll.u32 s6, $0x1;
	s7 =	sadd.s32 s21, s5  }
0x9e: {  	[timem:s22], [sflag:s8] =	dma.local [hbm:s7], s6  }
0x9f: {  	_ =	swait.ge [sflag:s8], s6  }
0xa0: {  	s6 =	ssub.s32 $0x0, s6;
	[sflag:s8] =	ssyncset.done $0x0  }
0xa1: {  	[sflag:s8] =	ssyncadd.s32 s6;
	_ =	sdelay $0x1  }
0xa2: {  	s23 =	simm.s32 $0x1B8B  }
0xa3: {  	_ =	swait.ge [sflag:s23], $0x1  }
0xa4: {  	[sflag:s23] =	ssyncset.done $0x0  }
0xa5: {  	[sflag:s23] =	ssyncadd.s32 $0xFFFFFFFF  }
0xa6: {  	s6 =	sld [smem:$0x0]  }
0xa7: {  	s7 =	sand.u32 $0xFFFFFFFE, s1  }
0xa8: {  	p0 =	sne.s32 s1, s7  }
0xa9: {  	s7 =	sshll.u32 @p0 s7, $0xE  }
0xaa: {  	s7 =	sadd.s32 @p0 $0x11B8D, s7;
	s8 =	sshll.u32 @p0 s6, $0x11  }
0xab: {  	s7 =	sor.u32 @p0 s8, s7  }
0xac: {  	[sflag:s7] =	ssyncadd.remote.s32 @p0 $0x1;
	_ =	sdelay $0x1  }
0xad: {  	s7 =	simm.s32 @p0 $0x1B8D  }
0xae: {  	_ =	swait.eq @p0 [sflag:s7], $0x1  }
0xaf: {  	[sflag:s7] =	ssyncadd.s32 @p0 $0xFFFFFFFF  }
0xb0: {  	s8 =	sshll.u32 @!p0 s1, $0xE  }
0xb1: {  	s8 =	sor.u32 @!p0 $0x4000, s8;
	s7 =	simm.s32 @!p0 $0x1B8D  }
0xb2: {  	s6 =	sshll.u32 @!p0 s6, $0x11;
	s8 =	sadd.s32 @!p0 $0x11B8D, s8;
	_ =	swait.eq @!p0 [sflag:s7], $0x1  }
0xb3: {  	s6 =	sor.u32 @!p0 s6, s8;
	[sflag:s7] =	ssyncadd.s32 @!p0 $0xFFFFFFFF  }
0xb4: {  	s25 =	simm.s32 $0x1B8E;
	s24 =	sld [smem:$0x3FFE];
	[sflag:s6] =	ssyncadd.remote.s32 @!p0 $0x1  }
0xb5: {  	s26 =	simm.s32 $execute0_lowered;
	[smem:$0x3FD2] =	sst s25  }
0xb6: {  	s7 =	sshll.u32 s26, $0x1;
	_ =	strace $0x80000049;
	[dreg:$0x1] =	wrdreg $0xFFFFFFFF  }
0xb7: {  	s28 =	simm.s32 $_size_execute0_lowered;
	s5 =	sadd.s32 s5, s7;
	[dreg:$0x0] =	wrdreg $0x0  }
0xb8: {  	s7 =	sshll.u32 s28, $0x1;
	[dreg:$0x2] =	wrdreg s5  }
0xb9: {  	[dreg:$0x3] =	wrdreg s7  }
0xba: {  	[dreg:$0x4] =	wrdreg $0xC0  }
0xbb: {  	_ =	task [dreg:s22], $0x5FFFF  }
0xbc: {  	[dreg:$0x1] =	wrdreg $0xFFFFFFFF  }
0xbd: {  	[dreg:$0x0] =	wrdreg $0x60  }
0xbe: {  	[dreg:$0x2] =	wrdreg s24  }
0xbf: {  	[dreg:$0x3] =	wrdreg s18  }
0xc0: {  	[dreg:$0x4] =	wrdreg s4  }
0xc1: {  	[dreg:$0x5] =	wrdreg $0xA  }
0xc2: {  	_ =	task.clear_ibuf [dreg:s22], $0x6FFFF;
	_ =	strace $0x90000049  }
0xc3: {  	s29 =	simm.s32 $0xA;
	_ =	strace $0x8000004B  }
0xc4: {  	_ =	swait.ge [sflag:s29], $0x1  }
0xc5: {  	[sflag:s29] =	ssyncadd.s32 $0xFFFFFFFF  }
0xc6: {  	_ =	strace $0x9000004B  }
0xc7: {  	_ =	sfence  }
0xc8: {  	s30 =	sld [smem:$0x0];
	_ =	sdelay $0x2  }
0xc9: {  	s31 =	sshll.u32 s1, $0xD;
	s1 =	sshrl.u32 s1, $0x2  }
0xca: {  	s4 =	sand.u32 $0x4000, s31;
	s1 =	sadd.s32 s1, s30  }
0xcb: {  	s0 =	sor.u32 s4, s0;
	s1 =	sshll.u32 s1, $0x11  }
0xcc: {  	s0 =	sor.u32 s1, s0  }
0xcd: {  	s0 =	sadd.s32 $0x8F2B, s0  }
0xce: {  	[sflag:s0] =	ssyncadd.remote.s32 $0x1  }
0xcf: {  	_ =	sfence.sel $0xFFFF  }
0xd0: {  	[dreg:$0x0] =	wrdreg $0xFFFFFFFF;
	(pc) =	sbr.abs _section_cstart, $3  }
0xd1: {  	[dreg:$0x1] =	wrdreg $0xFFFFFFFF  }
0xd2: {  	_ =	task.clear_ibuf [dreg:s22], $0x2FFFF;
	_ =	strace $0x9FFFFFFF  }
0xd3: {  	(tm) =	ssettm $0x7FFFFFFF  }
tec
execute0_lowered:
.L_overlay_start_1:
0x0: {  	(tag) =	ssettag $0x1  }
0x1: {  	s1 =	srdreg.scid  }
0x2: {  	s0 =	stileid.u32;
	s23 =	sand.u32 $0x1, s1  }
0x3: {  	s17 =	rddreg [dreg:$0x0];
	s31 =	sshll.u32 s0, $0x9;
	s4 =	sshll.u32 s23, $0x8  }
0x4: {  	s2 =	rddreg [dreg:$0x1];
	s18 =	sor.u32 s4, s31  }
0x5: {  	s3 =	rddreg [dreg:$0x2];
	s4 =	simm.s32 $0x0;
	s5 =	sshrl.u32 s18, $0x3  }
0x6: {  	[smem:$0x7FF] =	sst s4;
	s8 =	sadd.s32 s5, s17  }
0x7: {  	s1 =	rddreg [dreg:$0x3];
	_ =	strace $0x8000004A;
	s5 =	sadd.s32 $0x2C00, s8  }
0x8: {  	[tilespmem:s4], [sflag:$0x4] =	stream.linear.gather [hbm4b:s5+s4], $0x100, $0x38;
	[tilespmem:$0x18300] =	vst v63  }
0x9: {  	s7 =	simm.s32 $0x100;
	s6 =	sadd.s32 $0x3C00, s8  }
0xa: {  	[tilespmem:s7], [sflag:$0x5] =	stream.linear.gather [hbm4b:s6+s4], $0x100, $0x38;
	[tilespmem:$0x18300] =	vst v63  }
0xb: {  	s9 =	simm.s32 $0x200;
	s10 =	simm.s32 $0x4;
	s8 =	sadd.s32 $0x3800, s8  }
0xc: {  	[tilespmem:s9], [sflag:$0x6] =	stream.linear.gather [hbm4b:s8+s4], $0x100, $0x38;
	[tilespmem:$0x18300] =	vst v63  }
0xd: {  	_ =	swait.ge [sflag:s10], $0x100  }
0xe: {  	[sflag:s10] =	ssyncset.done $0x0  }
0xf: {  	s11 =	simm.s32 $0x300;
	s12 =	simm.s32 $0x5;
	[sflag:s10] =	ssyncadd.s32 $0xFFFFFF00  }
0x10: {  	[tilespmem:s11], [sflag:$0x1] =	stream.indirect.gather [hbm4b:s2+s7], $0x80, s4, s7, $0xb8;
	[tilespmem:$0x18300] =	vst v63  }
0x11: {  	_ =	swait.ge [sflag:s12], $0x100  }
0x12: {  	[sflag:s12] =	ssyncset.done $0x0  }
0x13: {  	s13 =	simm.s32 $0x8300;
	s14 =	simm.s32 $0x6;
	[sflag:s12] =	ssyncadd.s32 $0xFFFFFF00  }
0x14: {  	[tilespmem:s13], [sflag:$0x2] =	stream.indirect.gather [hbm4b:s3+s7], $0x80, s7, s7, $0xb8;
	[tilespmem:$0x18300] =	vst v63  }
0x15: {  	_ =	swait.ge [sflag:s14], $0x100  }
0x16: {  	[sflag:s14] =	ssyncset.done $0x0  }
0x17: {  	s15 =	simm.s32 $0x10300;
	s16 =	simm.s32 $0x1;
	[sflag:s14] =	ssyncadd.s32 $0xFFFFFF00  }
0x18: {  	[tilespmem:s15], [sflag:$0x3] =	stream.indirect.gather [hbm4b:s2+s7], $0x80, s9, s7, $0xb8;
	[tilespmem:$0x18300] =	vst v63  }
0x19: {  	s18 =	sshll.u32 s18, $0x4;
	_ =	swait.ge [sflag:s16], $0x8000  }
0x1a: {  	s21 =	sadd.s32 s18, s17;
	[sflag:s16] =	ssyncset.done $0x0  }
0x1b: {  	s18 =	simm.s32 $0x2;
	s17 =	sadd.s32 $0x64000, s21;
	[sflag:s16] =	ssyncadd.s32 $0xFFFF8000  }
0x1c: {  	[hbm4b:s17+s4] =	stream.linear.scatter [tilespmem:s11], [sflag:$0x7], $0x8000, $0x38;
	[tilespmem:$0x18300] =	vst v63  }
0x1d: {  	_ =	swait.ge [sflag:s18], $0x8000  }
0x1e: {  	[sflag:s18] =	ssyncset.done $0x0  }
0x1f: {  	s20 =	simm.s32 $0x3;
	s19 =	sadd.s32 $0x84000, s21;
	[sflag:s18] =	ssyncadd.s32 $0xFFFF8000  }
0x20: {  	[hbm4b:s19+s4] =	stream.linear.scatter [tilespmem:s13], [sflag:$0x8], $0x8000, $0x38;
	[tilespmem:$0x18300] =	vst v63  }
0x21: {  	_ =	swait.ge [sflag:s20], $0x8000  }
0x22: {  	s22 =	simm.s32 $0x7;
	s24 =	ssub.s32 $0x2, s23;
	[sflag:s20] =	ssyncset.done $0x0  }
0x23: {  	s25 =	sshrl.u32 s24, $0x1;
	s21 =	sadd.s32 $0xA4000, s21;
	[sflag:s20] =	ssyncadd.s32 $0xFFFF8000  }
0x24: {  	[hbm4b:s21+s4] =	stream.linear.scatter [tilespmem:s15], [sflag:$0x9], $0x8000, $0x38;
	[tilespmem:$0x18300] =	vst v63  }
0x25: {  	s24 =	ssub.s32 s24, s25;
	_ =	swait.ge [sflag:s22], $0x8000  }
0x26: {  	s25 =	smax.u32 s24, $0x1;
	[sflag:s22] =	ssyncset.done $0x0  }
0x27: {  	s23 =	simm.s32 $0x8;
	p0 =	sne.s32 s25, $0x1;
	[sflag:s22] =	ssyncadd.s32 $0xFFFF8000  }
.Ltmp0:
0x28: {  	_ =	swait.ge [sflag:s23], $0x8000;
	(pc) =	sbr.rel @!p0 .LBB2_2-.Ltmp0, $4  }
0x29: {  	[sflag:s23] =	ssyncset.done $0x0  }
0x2a: {  	s24 =	simm.s32 $0x9;
	[sflag:s23] =	ssyncadd.s32 $0xFFFF8000  }
0x2b: {  	_ =	swait.ge [sflag:s24], $0x8000  }
0x2c: {  	s25 =	sadd.s32 $0xFFFFFFFF, s25;
	[sflag:s24] =	ssyncset.done $0x0  }
.LBB2_1:
0x2d: {  	p0 =	sne.s32 s25, $0x1;
	s25 =	sadd.s32 $0xFFFFFFFF, s25;
	[sflag:s24] =	ssyncadd.s32 $0xFFFF8000  }
0x2e: {  	[tilespmem:s4], [sflag:$0x4] =	stream.linear.gather [hbm4b:s5+s4], $0x100, $0x38;
	[tilespmem:$0x18300] =	vst v63  }
0x2f: {  	_ = 	snop  }
0x30: {  	[tilespmem:s7], [sflag:$0x5] =	stream.linear.gather [hbm4b:s6+s4], $0x100, $0x38;
	[tilespmem:$0x18300] =	vst v63  }
0x31: {  	_ = 	snop  }
0x32: {  	[tilespmem:s9], [sflag:$0x6] =	stream.linear.gather [hbm4b:s8+s4], $0x100, $0x38;
	[tilespmem:$0x18300] =	vst v63  }
0x33: {  	_ =	swait.ge [sflag:s10], $0x100  }
0x34: {  	[sflag:s10] =	ssyncset.done $0x0  }
0x35: {  	[sflag:s10] =	ssyncadd.s32 $0xFFFFFF00  }
0x36: {  	[tilespmem:s11], [sflag:$0x1] =	stream.indirect.gather [hbm4b:s2+s7], $0x80, s4, s7, $0xb8;
	[tilespmem:$0x18300] =	vst v63  }
0x37: {  	_ =	swait.ge [sflag:s12], $0x100  }
0x38: {  	[sflag:s12] =	ssyncset.done $0x0  }
0x39: {  	[sflag:s12] =	ssyncadd.s32 $0xFFFFFF00  }
0x3a: {  	[tilespmem:s13], [sflag:$0x2] =	stream.indirect.gather [hbm4b:s3+s7], $0x80, s7, s7, $0xb8;
	[tilespmem:$0x18300] =	vst v63  }
0x3b: {  	_ =	swait.ge [sflag:s14], $0x100  }
0x3c: {  	[sflag:s14] =	ssyncset.done $0x0  }
0x3d: {  	[sflag:s14] =	ssyncadd.s32 $0xFFFFFF00  }
0x3e: {  	[tilespmem:s15], [sflag:$0x3] =	stream.indirect.gather [hbm4b:s2+s7], $0x80, s9, s7, $0xb8;
	[tilespmem:$0x18300] =	vst v63  }
0x3f: {  	_ =	swait.ge [sflag:s16], $0x8000  }
0x40: {  	[sflag:s16] =	ssyncset.done $0x0  }
0x41: {  	[sflag:s16] =	ssyncadd.s32 $0xFFFF8000  }
0x42: {  	[hbm4b:s17+s4] =	stream.linear.scatter [tilespmem:s11], [sflag:$0x7], $0x8000, $0x38;
	[tilespmem:$0x18300] =	vst v63  }
0x43: {  	_ =	swait.ge [sflag:s18], $0x8000  }
0x44: {  	[sflag:s18] =	ssyncset.done $0x0  }
0x45: {  	[sflag:s18] =	ssyncadd.s32 $0xFFFF8000  }
0x46: {  	[hbm4b:s19+s4] =	stream.linear.scatter [tilespmem:s13], [sflag:$0x8], $0x8000, $0x38;
	[tilespmem:$0x18300] =	vst v63  }
0x47: {  	_ =	swait.ge [sflag:s20], $0x8000  }
0x48: {  	[sflag:s20] =	ssyncset.done $0x0  }
0x49: {  	[sflag:s20] =	ssyncadd.s32 $0xFFFF8000  }
0x4a: {  	[hbm4b:s21+s4] =	stream.linear.scatter [tilespmem:s15], [sflag:$0x9], $0x8000, $0x38;
	[tilespmem:$0x18300] =	vst v63  }
0x4b: {  	_ =	swait.ge [sflag:s22], $0x8000  }
0x4c: {  	[sflag:s22] =	ssyncset.done $0x0  }
0x4d: {  	[sflag:s22] =	ssyncadd.s32 $0xFFFF8000  }
.Ltmp1:
0x4e: {  	_ =	swait.ge [sflag:s23], $0x8000;
	(pc) =	sbr.rel @p0 .LBB2_1-.Ltmp1, $4  }
0x4f: {  	[sflag:s23] =	ssyncset.done $0x0  }
0x50: {  	[sflag:s23] =	ssyncadd.s32 $0xFFFF8000  }
0x51: {  	_ =	swait.ge [sflag:s24], $0x8000  }
0x52: {  	[sflag:s24] =	ssyncset.done $0x0  }
.LBB2_2:
0x53: {  	[sflag:s24] =	ssyncadd.s32 $0xFFFF8000  }
0x54: {  	_ =	sfence.sel $0x180000  }
0x55: {  	[bflag:$0x0] =	sbarrier.arrive $0xFFFF  }
0x56: {  	p0 =	sne.s32 s0, $0x0;
	_ =	strace $0x9000004A  }
0x57: {  	s0 =	sadd.s32 @!p0 $0x100000, s1;
	[bflag:$0x2] =	sbarrier.arrive $0xFFFF  }
0x58: {  	[sflag:s0] =	ssyncadd.tile.s32 @!p0 $0x1;
	_ =	shalt  }
.Lfunc_end2:
_tile_overlayer_lowered:
.L_overlay_start_2:
0x59: {  	(tag) =	ssettag $0x2  }
0x5a: {  	s0 =	rddreg [dreg:$0x0];
	s2 =	stileid.u32  }
0x5b: {  	s1 =	rddreg [dreg:$0x1];
	p0 =	sne.s32 s2, $0x0  }
0x5c: {  	s3 =	rddreg [dreg:$0x2];
	[bflag:$0x3] =	sbarrier.arrive $0xFFFF;
	s2 =	simm.s32 @!p0 $0x1C0A  }
0x5d: {  	[timem:s3], [sflag:s2] =	dma.local @!p0 [hbm:s0], s1  }
0x5e: {  	s0 =	simm.s32 @!p0 $0xA  }
0x5f: {  	_ =	swait.ge @!p0 [sflag:s0], s1  }
0x60: {  	s1 =	ssub.s32 @!p0 $0x0, s1;
	[sflag:s0] =	ssyncset.done @!p0 $0x0  }
0x61: {  	[sflag:s0] =	ssyncadd.s32 @!p0 s1  }
0x62: {  	[bflag:$0x3] =	sbarrier.arrive $0xFFFF  }
0x63: {  	_ =	shalt  }

</sc_bundles>
